<compile_context>
chip_gen: v7x
topology: tpu7x:2x2x1
jax: 0.10.2.dev20260603
libtpu: 0.0.44.dev20260713+nightly
codegen_flags: <defaults>
</compile_context>

<pallas_src>
import functools

import jax
import jax.numpy as jnp
from jax import lax
from jax.experimental import pallas as pl
from jax.experimental.pallas import tpu as pltpu
from jax.experimental.pallas import tpu_sc as plsc

N_NODES = 10000
N_EDGES = 320000
N_PAD = 10240
NC, NS = 2, 16
NW = NC * NS
CHUNK = 128
CHUNKS_PW = 80
EDGES_PW = CHUNK * CHUNKS_PW
E_PAD = NW * EDGES_PW
ROWS_PW = N_PAD // NS

def _mesh():
    return plsc.VectorSubcoreMesh(
        core_axis_name="c", subcore_axis_name="s", num_cores=NC, num_subcores=NS
    )


def _worker_ids():
    c = lax.axis_index("c")
    s = lax.axis_index("s")
    return c, s, c * NS + s


def _deg_body(dst_hbm, ones_hbm, zer_hbm, out_hbm, dstv, onesv, acc):
    c, s, w = _worker_ids()
    pltpu.sync_copy(zer_hbm, acc.at[pl.ds(s * ROWS_PW, ROWS_PW)])
    pltpu.sync_copy(dst_hbm.at[pl.ds(w * CHUNKS_PW, CHUNKS_PW)], dstv)
    pltpu.sync_copy(ones_hbm, onesv)
    plsc.subcore_barrier()

    @pl.loop(0, CHUNKS_PW)
    def _(j):
        pltpu.sync_copy(onesv, acc.at[dstv.at[j]], add=True)

    plsc.subcore_barrier()
    pltpu.sync_copy(
        acc.at[pl.ds(s * ROWS_PW, ROWS_PW)],
        out_hbm.at[c, pl.ds(s * ROWS_PW, ROWS_PW)],
    )


_SC_PARAMS = pltpu.CompilerParams(use_tc_tiling_on_sc=False)


DEG_W = 16


def _sc_degree(dst_p, ones, zer):
    return pl.kernel(
        _deg_body,
        out_type=jax.ShapeDtypeStruct((NC, N_PAD, DEG_W), jnp.float32),
        mesh=_mesh(),
        compiler_params=_SC_PARAMS,
        scratch_types=[
            pltpu.VMEM((CHUNKS_PW, CHUNK), jnp.int32),
            pltpu.VMEM((CHUNK, DEG_W), jnp.float32),
            pltpu.VMEM_SHARED((N_PAD, DEG_W), jnp.float32),
        ],
    )(dst_p, ones, zer)


PA, PD = 1, 2
P = PA + PD


def _agg_body(*refs):
    H = len(refs) - 11
    tables = refs[:H]
    (src_hbm, dst_hbm, zer_hbm, out_hbm,
     srcv, dstv, rows, table, acc, gsem, ssem) = refs[H:]
    c, s, w = _worker_ids()
    pltpu.sync_copy(src_hbm.at[pl.ds(w * CHUNKS_PW, CHUNKS_PW)], srcv)
    pltpu.sync_copy(dst_hbm.at[pl.ds(w * CHUNKS_PW, CHUNKS_PW)], dstv)

    for h, g_hbm in enumerate(tables):
        pltpu.sync_copy(
            g_hbm.at[pl.ds(s * ROWS_PW, ROWS_PW)],
            table.at[pl.ds(s * ROWS_PW, ROWS_PW)],
        )

        @pl.loop(0, ROWS_PW // CHUNK)
        def _(r):
            pltpu.sync_copy(zer_hbm, acc.at[pl.ds(s * ROWS_PW + r * CHUNK, CHUNK)])

        plsc.subcore_barrier()

        for q in range(PA):
            pltpu.async_copy(table.at[srcv.at[q]], rows.at[q], gsem.at[q])

        @pl.loop(0, CHUNKS_PW)
        def _(j):
            p = lax.rem(j, P)
            pn = lax.rem(j + PA, P)

            @pl.when(j >= PD)
            def _():
                pltpu.make_async_copy(
                    rows.at[pn], acc.at[pl.ds(0, CHUNK)], ssem.at[pn]
                ).wait()

            @pl.when(j + PA < CHUNKS_PW)
            def _():
                pltpu.async_copy(table.at[srcv.at[j + PA]], rows.at[pn], gsem.at[pn])

            pltpu.make_async_copy(
                table.at[pl.ds(0, CHUNK)], rows.at[p], gsem.at[p]
            ).wait()
            pltpu.async_copy(rows.at[p], acc.at[dstv.at[j]], ssem.at[p], add=True)

        for jt in range(CHUNKS_PW - PD, CHUNKS_PW):
            pltpu.make_async_copy(
                rows.at[jt % P], acc.at[pl.ds(0, CHUNK)], ssem.at[jt % P]
            ).wait()
        plsc.subcore_barrier()
        pltpu.sync_copy(
            acc.at[pl.ds(s * ROWS_PW, ROWS_PW)],
            out_hbm.at[h, c, pl.ds(s * ROWS_PW, ROWS_PW)],
        )


D_AGG = 64


def _sc_aggregate(tables, src_p, dst_p, zer):
    H = len(tables)
    return pl.kernel(
        _agg_body,
        out_type=jax.ShapeDtypeStruct((H, NC, N_PAD, D_AGG), jnp.float32),
        mesh=_mesh(),
        compiler_params=_SC_PARAMS,
        scratch_types=[
            pltpu.VMEM((CHUNKS_PW, CHUNK), jnp.int32),
            pltpu.VMEM((CHUNKS_PW, CHUNK), jnp.int32),
            pltpu.VMEM((P, CHUNK, D_AGG), jnp.float32),
            pltpu.VMEM_SHARED((N_PAD, D_AGG), jnp.float32),
            pltpu.VMEM_SHARED((N_PAD, D_AGG), jnp.float32),
            pltpu.SemaphoreType.DMA((P,)),
            pltpu.SemaphoreType.DMA((P,)),
        ],
    )(*tables, src_p, dst_p, zer)


_BR = 1024


def _mm_in_body(x_ref, wl_ref, wr_ref, d0_ref, d1_ref, ol_ref, or_ref):
    dinv = lax.rsqrt(d0_ref[:, :1] + d1_ref[:, :1] + 1.0)
    ol_ref[...] = (
        jnp.dot(x_ref[...], wl_ref[...], preferred_element_type=jnp.float32) * dinv
    )
    or_ref[...] = (
        jnp.dot(x_ref[...], wr_ref[...], preferred_element_type=jnp.float32) * dinv
    )


def _tc_in(x, wl, wr, d0, d1):
    k = x.shape[1]
    half = jax.ShapeDtypeStruct((N_PAD, D_AGG), jnp.float32)
    return pl.pallas_call(
        _mm_in_body,
        grid=(N_PAD // _BR,),
        in_specs=[
            pl.BlockSpec((_BR, k), lambda i: (i, 0)),
            pl.BlockSpec((k, D_AGG), lambda i: (0, 0)),
            pl.BlockSpec((k, D_AGG), lambda i: (0, 0)),
            pl.BlockSpec((_BR, DEG_W), lambda i: (i, 0)),
            pl.BlockSpec((_BR, DEG_W), lambda i: (i, 0)),
        ],
        out_specs=[
            pl.BlockSpec((_BR, D_AGG), lambda i: (i, 0)),
            pl.BlockSpec((_BR, D_AGG), lambda i: (i, 0)),
        ],
        out_shape=[half, half],
    )(x, wl, wr, d0, d1)


def _mid_body(a0l, a1l, gl, a0r, a1r, gr, d0, d1, bl, br, wt, wb, o_ref):
    dinv = lax.rsqrt(d0[:, :1] + d1[:, :1] + 1.0)
    hl = jnp.maximum(dinv * (a0l[...] + a1l[...] + gl[...]) + bl[...], 0.0)
    hr = jnp.maximum(dinv * (a0r[...] + a1r[...] + gr[...]) + br[...], 0.0)
    o_ref[...] = (
        jnp.dot(hl, wt[...], preferred_element_type=jnp.float32)
        + jnp.dot(hr, wb[...], preferred_element_type=jnp.float32)
    ) * dinv


def _tc_mid(a0l, a1l, gl, a0r, a1r, gr, d0, d1, bl, br, wt, wb, dout):
    half = pl.BlockSpec((_BR, D_AGG), lambda i: (i, 0))
    degs = pl.BlockSpec((_BR, DEG_W), lambda i: (i, 0))
    return pl.pallas_call(
        _mid_body,
        grid=(N_PAD // _BR,),
        in_specs=[
            half, half, half, half, half, half, degs, degs,
            pl.BlockSpec((1, D_AGG), lambda i: (0, 0)),
            pl.BlockSpec((1, D_AGG), lambda i: (0, 0)),
            pl.BlockSpec((D_AGG, dout), lambda i: (0, 0)),
            pl.BlockSpec((D_AGG, dout), lambda i: (0, 0)),
        ],
        out_specs=pl.BlockSpec((_BR, dout), lambda i: (i, 0)),
        out_shape=jax.ShapeDtypeStruct((N_PAD, dout), jnp.float32),
    )(a0l, a1l, gl, a0r, a1r, gr, d0, d1, bl, br, wt, wb)


def _out_body(a0_ref, a1_ref, g_ref, d0_ref, d1_ref, b_ref, w_ref, bc_ref, o_ref):
    dinv = lax.rsqrt(d0_ref[:, :1] + d1_ref[:, :1] + 1.0)
    h = jnp.maximum(
        dinv * (a0_ref[...] + a1_ref[...] + g_ref[...]) + b_ref[...], 0.0
    )
    o_ref[...] = (
        jnp.dot(h, w_ref[...], preferred_element_type=jnp.float32) + bc_ref[...]
    )


def _tc_out(a0, a1, g, d0, d1, b, w, bc, dout):
    k = g.shape[1]
    return pl.pallas_call(
        _out_body,
        grid=(N_PAD // _BR,),
        in_specs=[
            pl.BlockSpec((_BR, k), lambda i: (i, 0)),
            pl.BlockSpec((_BR, k), lambda i: (i, 0)),
            pl.BlockSpec((_BR, k), lambda i: (i, 0)),
            pl.BlockSpec((_BR, DEG_W), lambda i: (i, 0)),
            pl.BlockSpec((_BR, DEG_W), lambda i: (i, 0)),
            pl.BlockSpec((1, k), lambda i: (0, 0)),
            pl.BlockSpec((k, dout), lambda i: (0, 0)),
            pl.BlockSpec((1, dout), lambda i: (0, 0)),
        ],
        out_specs=pl.BlockSpec((_BR, dout), lambda i: (i, 0)),
        out_shape=jax.ShapeDtypeStruct((N_PAD, dout), jnp.float32),
    )(a0, a1, g, d0, d1, b, w, bc)


def kernel(X, edge_index, W1, b1, W2, b2, Wc, bc):
    f32 = jnp.float32
    src = edge_index[0].astype(jnp.int32)
    dst = edge_index[1].astype(jnp.int32)
    npad = E_PAD - N_EDGES
    pad_dst = N_NODES + (jnp.arange(npad, dtype=jnp.int32) % (N_PAD - N_NODES))
    src_p = jnp.concatenate([src, jnp.zeros((npad,), jnp.int32)]).reshape(
        E_PAD // CHUNK, CHUNK
    )
    dst_p = jnp.concatenate([dst, pad_dst]).reshape(E_PAD // CHUNK, CHUNK)

    Xp = jnp.concatenate([X, jnp.zeros((N_PAD - N_NODES, X.shape[1]), f32)])
    ones_c = jnp.ones((CHUNK, DEG_W), f32)
    zer_r1 = jnp.zeros((ROWS_PW, DEG_W), f32)
    zer64 = jnp.zeros((CHUNK, 64), f32)

    degs = _sc_degree(dst_p, ones_c, zer_r1)
    d0, d1 = degs[0], degs[1]

    g1l, g1r = _tc_in(Xp, W1[:, :D_AGG], W1[:, D_AGG:], d0, d1)
    a1 = _sc_aggregate([g1l, g1r], src_p, dst_p, zer64)
    g2 = _tc_mid(
        a1[0, 0], a1[0, 1], g1l, a1[1, 0], a1[1, 1], g1r, d0, d1,
        b1[:D_AGG].reshape(1, -1), b1[D_AGG:].reshape(1, -1),
        W2[:D_AGG], W2[D_AGG:], 64,
    )
    a2 = _sc_aggregate([g2], src_p, dst_p, zer64)
    logits = _tc_out(
        a2[0, 0], a2[0, 1], g2, d0, d1, b2.reshape(1, -1), Wc, bc.reshape(1, -1), 32
    )
    return logits[:N_NODES]

# --- scband reference (transcript-rebuilt; emitter-appended) ---
"""Pipeline reference for scband-gcn-36636071034924 (READ-ONLY COPY).

The authoritative reference and input builder live on the scoring server;
editing this copy changes nothing except your own understanding.
"""

import jax, jax.numpy as jnp
import numpy as np

N_NODES = 10000
N_EDGES = 320000
IN_DIM = 128
H1 = 128
H2 = 64
N_CLASSES = 32


def gcn_conv(x, edge_index, W, b):
    N = x.shape[0]
    loops = jnp.arange(N, dtype=edge_index.dtype)
    src = jnp.concatenate([edge_index[0], loops])
    dst = jnp.concatenate([edge_index[1], loops])
    deg = jnp.zeros((N,), x.dtype).at[dst].add(1.0)
    dinv = jnp.where(deg > 0, 1.0 / jnp.sqrt(deg), 0.0)
    norm = dinv[src] * dinv[dst]
    h = x @ W
    msg = h[src] * norm[:, None]
    out = jnp.zeros((N, W.shape[1]), x.dtype).at[dst].add(msg)
    return out + b


def setup_inputs(seed: int = 0) -> dict:
    key = jax.random.key(seed)
    ks = jax.random.split(key, 8)
    X = jax.random.normal(ks[0], (N_NODES, IN_DIM), dtype=jnp.float32)
    edge_index = jax.random.randint(ks[1], (2, N_EDGES), 0, N_NODES)
    W1 = jax.random.normal(ks[2], (IN_DIM, H1), dtype=jnp.float32) * (1.0 / np.sqrt(IN_DIM))
    b1 = jnp.zeros((H1,), dtype=jnp.float32)
    W2 = jax.random.normal(ks[3], (H1, H2), dtype=jnp.float32) * (1.0 / np.sqrt(H1))
    b2 = jnp.zeros((H2,), dtype=jnp.float32)
    Wc = jax.random.normal(ks[4], (H2, N_CLASSES), dtype=jnp.float32) * (1.0 / np.sqrt(H2))
    bc = jnp.zeros((N_CLASSES,), dtype=jnp.float32)
    return {"X": X, "edge_index": edge_index, "W1": W1, "b1": b1, "W2": W2, "b2": b2, "Wc": Wc, "bc": bc}


def reference(X, edge_index, W1, b1, W2, b2, Wc, bc):
    h = jax.nn.relu(gcn_conv(X, edge_index, W1, b1))
    h = jax.nn.relu(gcn_conv(h, edge_index, W2, b2))
    logits = h @ Wc + bc
    return logits

if __name__ == "__main__":
    import jax
    _d = setup_inputs()
    print(jax.jit(kernel)(*tuple(_d.values())))

</pallas_src>

<mosaic_0001>
#map = affine_map<(d0, d1) -> (0, 0)>
#map1 = affine_map<(d0, d1) -> (0, 0, 0)>
module attributes {stable_mosaic.version = 14 : i64} {
  func.func @_deg_body(%arg0: i32, %arg1: i32, %arg2: memref<2560x128xi32, #tpu.memory_space<hbm>>, %arg3: memref<128x16xf32, #tpu.memory_space<hbm>>, %arg4: memref<640x16xf32, #tpu.memory_space<hbm>>, %arg5: memref<2x10240x16xf32, #tpu.memory_space<hbm>>, %arg6: memref<80x128xi32, #tpu.memory_space<vmem>>, %arg7: memref<128x16xf32, #tpu.memory_space<vmem>>, %arg8: memref<10240x16xf32, #tpu.memory_space<vmem_shared>>) attributes {dimension_semantics = [#tpu.dimension_semantics<core_parallel>, #tpu.dimension_semantics<subcore_parallel>], iteration_bounds = array<i64: 2, 16>, scalar_prefetch = 0 : i64, scratch_operands = 3 : i64, tpu.core_type = #tpu.core_type<sc_vector_subcore>, window_params = [{transform_indices = #map}, {transform_indices = #map}, {transform_indices = #map}, {transform_indices = #map1}]} {
    %mul3A = arith.constant 16 : i32
    %mul3A_0 = arith.muli %arg0, %mul3A : i32
    %add3A = arith.addi %mul3A_0, %arg1 : i32
    %mul3A_1 = arith.constant 640 : i32
    %mul3A_2 = arith.muli %arg1, %mul3A_1 : i32
    "tpu.region"() ({
      %run_scoped3A = tpu.sem_alloc : memref<!tpu.dma_semaphore, #tpu.memory_space<semaphore_mem>>
      %dma_start3A = arith.constant 0 : i32
      %dma_start3A_14 = tpu.memref_slice %arg8[%mul3A_2, %dma_start3A] : memref<10240x16xf32, #tpu.memory_space<vmem_shared>> -> memref<640x16xf32, #tpu.memory_space<vmem_shared>>
      tpu.enqueue_dma source(%arg4 : memref<640x16xf32, #tpu.memory_space<hbm>>) target(%dma_start3A_14 : memref<640x16xf32, #tpu.memory_space<vmem_shared>>) target_semaphore(%run_scoped3A : memref<!tpu.dma_semaphore, #tpu.memory_space<semaphore_mem>>)
      %dma_wait3A = arith.constant 0 : i32
      %dma_wait3A_15 = tpu.memref_slice %arg8[%mul3A_2, %dma_wait3A] : memref<10240x16xf32, #tpu.memory_space<vmem_shared>> -> memref<640x16xf32, #tpu.memory_space<vmem_shared>>
      tpu.wait_dma2 semaphore(%run_scoped3A : memref<!tpu.dma_semaphore, #tpu.memory_space<semaphore_mem>>) src(%arg4 : memref<640x16xf32, #tpu.memory_space<hbm>>) dst(%dma_wait3A_15 : memref<640x16xf32, #tpu.memory_space<vmem_shared>>)
      tpu.yield
    }) : () -> ()
    %mul3A_3 = arith.constant 80 : i32
    %mul3A_4 = arith.muli %add3A, %mul3A_3 : i32
    "tpu.region"() ({
      %run_scoped3A = tpu.sem_alloc : memref<!tpu.dma_semaphore, #tpu.memory_space<semaphore_mem>>
      %dma_start3A = arith.constant 0 : i32
      %dma_start3A_14 = tpu.memref_slice %arg2[%mul3A_4, %dma_start3A] : memref<2560x128xi32, #tpu.memory_space<hbm>> -> memref<80x128xi32, #tpu.memory_space<hbm>>
      %dma_start3A_15 = arith.constant 0 : i32
      %dma_start3A_16 = tpu.memref_slice %arg2[%mul3A_4, %dma_start3A_15] : memref<2560x128xi32, #tpu.memory_space<hbm>> -> memref<80x128xi32, #tpu.memory_space<hbm>>
      tpu.enqueue_dma source(%dma_start3A_16 : memref<80x128xi32, #tpu.memory_space<hbm>>) target(%arg6 : memref<80x128xi32, #tpu.memory_space<vmem>>) target_semaphore(%run_scoped3A : memref<!tpu.dma_semaphore, #tpu.memory_space<semaphore_mem>>)
      %dma_wait3A = arith.constant 0 : i32
      %dma_wait3A_17 = tpu.memref_slice %arg2[%mul3A_4, %dma_wait3A] : memref<2560x128xi32, #tpu.memory_space<hbm>> -> memref<80x128xi32, #tpu.memory_space<hbm>>
      %dma_wait3A_18 = arith.constant 0 : i32
      %dma_wait3A_19 = tpu.memref_slice %arg2[%mul3A_4, %dma_wait3A_18] : memref<2560x128xi32, #tpu.memory_space<hbm>> -> memref<80x128xi32, #tpu.memory_space<hbm>>
      tpu.wait_dma2 semaphore(%run_scoped3A : memref<!tpu.dma_semaphore, #tpu.memory_space<semaphore_mem>>) src(%dma_wait3A_19 : memref<80x128xi32, #tpu.memory_space<hbm>>) dst(%arg6 : memref<80x128xi32, #tpu.memory_space<vmem>>)
      tpu.yield
    }) : () -> ()
    "tpu.region"() ({
      %run_scoped3A = tpu.sem_alloc : memref<!tpu.dma_semaphore, #tpu.memory_space<semaphore_mem>>
      tpu.enqueue_dma source(%arg3 : memref<128x16xf32, #tpu.memory_space<hbm>>) target(%arg7 : memref<128x16xf32, #tpu.memory_space<vmem>>) target_semaphore(%run_scoped3A : memref<!tpu.dma_semaphore, #tpu.memory_space<semaphore_mem>>)
      tpu.wait_dma2 semaphore(%run_scoped3A : memref<!tpu.dma_semaphore, #tpu.memory_space<semaphore_mem>>) src(%arg3 : memref<128x16xf32, #tpu.memory_space<hbm>>) dst(%arg7 : memref<128x16xf32, #tpu.memory_space<vmem>>)
      tpu.yield
    }) : () -> ()
    %barrier3A = arith.constant 0 : index
    tpu.barrier barrier_id(%barrier3A)
    %scan3A = arith.constant 0 : i32
    %scan3A_5 = arith.constant 80 : i32
    %scan3A_6 = arith.addi %scan3A, %scan3A_5 : i32
    %scan3A_7 = arith.constant 1 : i32
    scf.for %scan3A_14 = %scan3A to %scan3A_6 step %scan3A_7  : i32 {
      %mul3A_15 = arith.constant 1 : i32
      %mul3A_16 = arith.muli %scan3A_14, %mul3A_15 : i32
      %add3A_17 = arith.constant 0 : i32
      %add3A_18 = arith.addi %add3A_17, %mul3A_16 : i32
      "tpu.region"() ({
        %run_scoped3A = tpu.sem_alloc : memref<!tpu.dma_semaphore, #tpu.memory_space<semaphore_mem>>
        %dma_start3A = arith.constant 0 : i32
        %dma_start3A_19 = tpu.memref_slice %arg6[%add3A_18, %dma_start3A] : memref<80x128xi32, #tpu.memory_space<vmem>> -> memref<1x128xi32, #tpu.memory_space<vmem>>
        %dma_start3A_20 = tpu.memref_squeeze %dma_start3A_19 : memref<1x128xi32, #tpu.memory_space<vmem>> -> memref<128xi32, #tpu.memory_space<vmem>>
        %dma_start3A_21 = arith.constant 0 : i32
        %dma_start3A_22 = arith.constant 0 : i32
        %dma_start3A_23 = tpu.memref_slice %arg8[%dma_start3A_21, %dma_start3A_22] : memref<10240x16xf32, #tpu.memory_space<vmem_shared>> -> memref<10240x16xf32, #tpu.memory_space<vmem_shared>>
        tpu.enqueue_indirect_dma source(%arg7 : memref<128x16xf32, #tpu.memory_space<vmem>>) target(%dma_start3A_23 : memref<10240x16xf32, #tpu.memory_space<vmem_shared>>) offsets(%dma_start3A_20 : memref<128xi32, #tpu.memory_space<vmem>>) semaphore(%run_scoped3A : memref<!tpu.dma_semaphore, #tpu.memory_space<semaphore_mem>>) {add = true}
        %dma_wait3A = arith.constant 0 : i32
        %dma_wait3A_24 = tpu.memref_slice %arg6[%add3A_18, %dma_wait3A] : memref<80x128xi32, #tpu.memory_space<vmem>> -> memref<1x128xi32, #tpu.memory_space<vmem>>
        %dma_wait3A_25 = tpu.memref_squeeze %dma_wait3A_24 : memref<1x128xi32, #tpu.memory_space<vmem>> -> memref<128xi32, #tpu.memory_space<vmem>>
        %dma_wait3A_26 = arith.constant 0 : i32
        %dma_wait3A_27 = arith.constant 0 : i32
        %dma_wait3A_28 = tpu.memref_slice %arg8[%dma_wait3A_26, %dma_wait3A_27] : memref<10240x16xf32, #tpu.memory_space<vmem_shared>> -> memref<10240x16xf32, #tpu.memory_space<vmem_shared>>
        tpu.wait_indirect_dma semaphore(%run_scoped3A : memref<!tpu.dma_semaphore, #tpu.memory_space<semaphore_mem>>) src(%arg7 : memref<128x16xf32, #tpu.memory_space<vmem>>) dst(%dma_wait3A_28 : memref<10240x16xf32, #tpu.memory_space<vmem_shared>>)
        tpu.yield
      }) : () -> ()
    }
    %scan3A_8 = arith.constant 80 : i32
    %barrier3A_9 = arith.constant 0 : index
    tpu.barrier barrier_id(%barrier3A_9)
    %mul3A_10 = arith.constant 640 : i32
    %mul3A_11 = arith.muli %arg1, %mul3A_10 : i32
    %mul3A_12 = arith.constant 640 : i32
    %mul3A_13 = arith.muli %arg1, %mul3A_12 : i32
    "tpu.region"() ({
      %run_scoped3A = tpu.sem_alloc : memref<!tpu.dma_semaphore, #tpu.memory_space<semaphore_mem>>
      %dma_start3A = arith.constant 0 : i32
      %dma_start3A_14 = tpu.memref_slice %arg5[%arg0, %mul3A_13, %dma_start3A] : memref<2x10240x16xf32, #tpu.memory_space<hbm>> -> memref<1x640x16xf32, #tpu.memory_space<hbm>>
      %dma_start3A_15 = tpu.memref_squeeze %dma_start3A_14 : memref<1x640x16xf32, #tpu.memory_space<hbm>> -> memref<640x16xf32, #tpu.memory_space<hbm>>
      %dma_start3A_16 = arith.constant 0 : i32
      %dma_start3A_17 = tpu.memref_slice %arg8[%mul3A_11, %dma_start3A_16] : memref<10240x16xf32, #tpu.memory_space<vmem_shared>> -> memref<640x16xf32, #tpu.memory_space<vmem_shared>>
      tpu.enqueue_dma source(%dma_start3A_17 : memref<640x16xf32, #tpu.memory_space<vmem_shared>>) target(%dma_start3A_15 : memref<640x16xf32, #tpu.memory_space<hbm>>) target_semaphore(%run_scoped3A : memref<!tpu.dma_semaphore, #tpu.memory_space<semaphore_mem>>)
      %dma_wait3A = arith.constant 0 : i32
      %dma_wait3A_18 = tpu.memref_slice %arg5[%arg0, %mul3A_13, %dma_wait3A] : memref<2x10240x16xf32, #tpu.memory_space<hbm>> -> memref<1x640x16xf32, #tpu.memory_space<hbm>>
      %dma_wait3A_19 = tpu.memref_squeeze %dma_wait3A_18 : memref<1x640x16xf32, #tpu.memory_space<hbm>> -> memref<640x16xf32, #tpu.memory_space<hbm>>
      %dma_wait3A_20 = arith.constant 0 : i32
      %dma_wait3A_21 = tpu.memref_slice %arg8[%mul3A_11, %dma_wait3A_20] : memref<10240x16xf32, #tpu.memory_space<vmem_shared>> -> memref<640x16xf32, #tpu.memory_space<vmem_shared>>
      tpu.wait_dma2 semaphore(%run_scoped3A : memref<!tpu.dma_semaphore, #tpu.memory_space<semaphore_mem>>) src(%dma_wait3A_21 : memref<640x16xf32, #tpu.memory_space<vmem_shared>>) dst(%dma_wait3A_19 : memref<640x16xf32, #tpu.memory_space<hbm>>)
      tpu.yield
    }) : () -> ()
    return
  }
}

#map = affine_map<(d0, d1) -> (0, 0)>
#map1 = affine_map<(d0, d1) -> (0, 0, 0, 0)>
module attributes {stable_mosaic.version = 14 : i64} {
  func.func @_agg_body(%arg0: i32, %arg1: i32, %arg2: memref<10240x64xf32, #tpu.memory_space<hbm>>, %arg3: memref<10240x64xf32, #tpu.memory_space<hbm>>, %arg4: memref<2560x128xi32, #tpu.memory_space<hbm>>, %arg5: memref<2560x128xi32, #tpu.memory_space<hbm>>, %arg6: memref<128x64xf32, #tpu.memory_space<hbm>>, %arg7: memref<2x2x10240x64xf32, #tpu.memory_space<hbm>>, %arg8: memref<80x128xi32, #tpu.memory_space<vmem>>, %arg9: memref<80x128xi32, #tpu.memory_space<vmem>>, %arg10: memref<3x128x64xf32, #tpu.memory_space<vmem>>, %arg11: memref<10240x64xf32, #tpu.memory_space<vmem_shared>>, %arg12: memref<10240x64xf32, #tpu.memory_space<vmem_shared>>, %arg13: memref<3x!tpu.dma_semaphore, #tpu.memory_space<semaphore_mem>>, %arg14: memref<3x!tpu.dma_semaphore, #tpu.memory_space<semaphore_mem>>) attributes {dimension_semantics = [#tpu.dimension_semantics<core_parallel>, #tpu.dimension_semantics<subcore_parallel>], iteration_bounds = array<i64: 2, 16>, scalar_prefetch = 0 : i64, scratch_operands = 7 : i64, tpu.core_type = #tpu.core_type<sc_vector_subcore>, window_params = [{transform_indices = #map}, {transform_indices = #map}, {transform_indices = #map}, {transform_indices = #map}, {transform_indices = #map}, {transform_indices = #map1}]} {
    %mul3A = arith.constant 16 : i32
    %mul3A_0 = arith.muli %arg0, %mul3A : i32
    %add3A = arith.addi %mul3A_0, %arg1 : i32
    %mul3A_1 = arith.constant 80 : i32
    %mul3A_2 = arith.muli %add3A, %mul3A_1 : i32
    "tpu.region"() ({
      %run_scoped3A_144 = tpu.sem_alloc : memref<!tpu.dma_semaphore, #tpu.memory_space<semaphore_mem>>
      %dma_start3A_145 = arith.constant 0 : i32
      %dma_start3A_146 = tpu.memref_slice %arg4[%mul3A_2, %dma_start3A_145] : memref<2560x128xi32, #tpu.memory_space<hbm>> -> memref<80x128xi32, #tpu.memory_space<hbm>>
      %dma_start3A_147 = arith.constant 0 : i32
      %dma_start3A_148 = tpu.memref_slice %arg4[%mul3A_2, %dma_start3A_147] : memref<2560x128xi32, #tpu.memory_space<hbm>> -> memref<80x128xi32, #tpu.memory_space<hbm>>
      tpu.enqueue_dma source(%dma_start3A_148 : memref<80x128xi32, #tpu.memory_space<hbm>>) target(%arg8 : memref<80x128xi32, #tpu.memory_space<vmem>>) target_semaphore(%run_scoped3A_144 : memref<!tpu.dma_semaphore, #tpu.memory_space<semaphore_mem>>)
      %dma_wait3A_149 = arith.constant 0 : i32
      %dma_wait3A_150 = tpu.memref_slice %arg4[%mul3A_2, %dma_wait3A_149] : memref<2560x128xi32, #tpu.memory_space<hbm>> -> memref<80x128xi32, #tpu.memory_space<hbm>>
      %dma_wait3A_151 = arith.constant 0 : i32
      %dma_wait3A_152 = tpu.memref_slice %arg4[%mul3A_2, %dma_wait3A_151] : memref<2560x128xi32, #tpu.memory_space<hbm>> -> memref<80x128xi32, #tpu.memory_space<hbm>>
      tpu.wait_dma2 semaphore(%run_scoped3A_144 : memref<!tpu.dma_semaphore, #tpu.memory_space<semaphore_mem>>) src(%dma_wait3A_152 : memref<80x128xi32, #tpu.memory_space<hbm>>) dst(%arg8 : memref<80x128xi32, #tpu.memory_space<vmem>>)
      tpu.yield
    }) : () -> ()
    %mul3A_3 = arith.constant 80 : i32
    %mul3A_4 = arith.muli %add3A, %mul3A_3 : i32
    "tpu.region"() ({
      %run_scoped3A_144 = tpu.sem_alloc : memref<!tpu.dma_semaphore, #tpu.memory_space<semaphore_mem>>
      %dma_start3A_145 = arith.constant 0 : i32
      %dma_start3A_146 = tpu.memref_slice %arg5[%mul3A_4, %dma_start3A_145] : memref<2560x128xi32, #tpu.memory_space<hbm>> -> memref<80x128xi32, #tpu.memory_space<hbm>>
      %dma_start3A_147 = arith.constant 0 : i32
      %dma_start3A_148 = tpu.memref_slice %arg5[%mul3A_4, %dma_start3A_147] : memref<2560x128xi32, #tpu.memory_space<hbm>> -> memref<80x128xi32, #tpu.memory_space<hbm>>
      tpu.enqueue_dma source(%dma_start3A_148 : memref<80x128xi32, #tpu.memory_space<hbm>>) target(%arg9 : memref<80x128xi32, #tpu.memory_space<vmem>>) target_semaphore(%run_scoped3A_144 : memref<!tpu.dma_semaphore, #tpu.memory_space<semaphore_mem>>)
      %dma_wait3A_149 = arith.constant 0 : i32
      %dma_wait3A_150 = tpu.memref_slice %arg5[%mul3A_4, %dma_wait3A_149] : memref<2560x128xi32, #tpu.memory_space<hbm>> -> memref<80x128xi32, #tpu.memory_space<hbm>>
      %dma_wait3A_151 = arith.constant 0 : i32
      %dma_wait3A_152 = tpu.memref_slice %arg5[%mul3A_4, %dma_wait3A_151] : memref<2560x128xi32, #tpu.memory_space<hbm>> -> memref<80x128xi32, #tpu.memory_space<hbm>>
      tpu.wait_dma2 semaphore(%run_scoped3A_144 : memref<!tpu.dma_semaphore, #tpu.memory_space<semaphore_mem>>) src(%dma_wait3A_152 : memref<80x128xi32, #tpu.memory_space<hbm>>) dst(%arg9 : memref<80x128xi32, #tpu.memory_space<vmem>>)
      tpu.yield
    }) : () -> ()
    %mul3A_5 = arith.constant 640 : i32
    %mul3A_6 = arith.muli %arg1, %mul3A_5 : i32
    %mul3A_7 = arith.constant 640 : i32
    %mul3A_8 = arith.muli %arg1, %mul3A_7 : i32
    "tpu.region"() ({
      %run_scoped3A_144 = tpu.sem_alloc : memref<!tpu.dma_semaphore, #tpu.memory_space<semaphore_mem>>
      %dma_start3A_145 = arith.constant 0 : i32
      %dma_start3A_146 = tpu.memref_slice %arg11[%mul3A_8, %dma_start3A_145] : memref<10240x64xf32, #tpu.memory_space<vmem_shared>> -> memref<640x64xf32, #tpu.memory_space<vmem_shared>>
      %dma_start3A_147 = arith.constant 0 : i32
      %dma_start3A_148 = tpu.memref_slice %arg2[%mul3A_6, %dma_start3A_147] : memref<10240x64xf32, #tpu.memory_space<hbm>> -> memref<640x64xf32, #tpu.memory_space<hbm>>
      tpu.enqueue_dma source(%dma_start3A_148 : memref<640x64xf32, #tpu.memory_space<hbm>>) target(%dma_start3A_146 : memref<640x64xf32, #tpu.memory_space<vmem_shared>>) target_semaphore(%run_scoped3A_144 : memref<!tpu.dma_semaphore, #tpu.memory_space<semaphore_mem>>)
      %dma_wait3A_149 = arith.constant 0 : i32
      %dma_wait3A_150 = tpu.memref_slice %arg11[%mul3A_8, %dma_wait3A_149] : memref<10240x64xf32, #tpu.memory_space<vmem_shared>> -> memref<640x64xf32, #tpu.memory_space<vmem_shared>>
      %dma_wait3A_151 = arith.constant 0 : i32
      %dma_wait3A_152 = tpu.memref_slice %arg2[%mul3A_6, %dma_wait3A_151] : memref<10240x64xf32, #tpu.memory_space<hbm>> -> memref<640x64xf32, #tpu.memory_space<hbm>>
      tpu.wait_dma2 semaphore(%run_scoped3A_144 : memref<!tpu.dma_semaphore, #tpu.memory_space<semaphore_mem>>) src(%dma_wait3A_152 : memref<640x64xf32, #tpu.memory_space<hbm>>) dst(%dma_wait3A_150 : memref<640x64xf32, #tpu.memory_space<vmem_shared>>)
      tpu.yield
    }) : () -> ()
    %scan3A = arith.constant 0 : i32
    %scan3A_9 = arith.constant 5 : i32
    %scan3A_10 = arith.addi %scan3A, %scan3A_9 : i32
    %scan3A_11 = arith.constant 1 : i32
    scf.for %scan3A_144 = %scan3A to %scan3A_10 step %scan3A_11  : i32 {
      %mul3A_145 = arith.constant 1 : i32
      %mul3A_146 = arith.muli %scan3A_144, %mul3A_145 : i32
      %add3A_147 = arith.constant 0 : i32
      %add3A_148 = arith.addi %add3A_147, %mul3A_146 : i32
      %mul3A_149 = arith.constant 640 : i32
      %mul3A_150 = arith.muli %arg1, %mul3A_149 : i32
      %mul3A_151 = arith.constant 128 : i32
      %mul3A_152 = arith.muli %add3A_148, %mul3A_151 : i32
      %add3A_153 = arith.addi %mul3A_150, %mul3A_152 : i32
      "tpu.region"() ({
        %run_scoped3A_154 = tpu.sem_alloc : memref<!tpu.dma_semaphore, #tpu.memory_space<semaphore_mem>>
        %dma_start3A_155 = arith.constant 0 : i32
        %dma_start3A_156 = tpu.memref_slice %arg12[%add3A_153, %dma_start3A_155] : memref<10240x64xf32, #tpu.memory_space<vmem_shared>> -> memref<128x64xf32, #tpu.memory_space<vmem_shared>>
        tpu.enqueue_dma source(%arg6 : memref<128x64xf32, #tpu.memory_space<hbm>>) target(%dma_start3A_156 : memref<128x64xf32, #tpu.memory_space<vmem_shared>>) target_semaphore(%run_scoped3A_154 : memref<!tpu.dma_semaphore, #tpu.memory_space<semaphore_mem>>)
        %dma_wait3A_157 = arith.constant 0 : i32
        %dma_wait3A_158 = tpu.memref_slice %arg12[%add3A_153, %dma_wait3A_157] : memref<10240x64xf32, #tpu.memory_space<vmem_shared>> -> memref<128x64xf32, #tpu.memory_space<vmem_shared>>
        tpu.wait_dma2 semaphore(%run_scoped3A_154 : memref<!tpu.dma_semaphore, #tpu.memory_space<semaphore_mem>>) src(%arg6 : memref<128x64xf32, #tpu.memory_space<hbm>>) dst(%dma_wait3A_158 : memref<128x64xf32, #tpu.memory_space<vmem_shared>>)
        tpu.yield
      }) : () -> ()
    }
    %scan3A_12 = arith.constant 5 : i32
    %barrier3A = arith.constant 0 : index
    tpu.barrier barrier_id(%barrier3A)
    %dma_start3A = arith.constant 0 : i32
    %dma_start3A_13 = arith.constant 0 : i32
    %dma_start3A_14 = arith.constant 0 : i32
    %dma_start3A_15 = arith.constant 0 : i32
    %dma_start3A_16 = arith.constant 0 : i32
    %dma_start3A_17 = tpu.memref_slice %arg10[%dma_start3A_13, %dma_start3A_15, %dma_start3A_16] : memref<3x128x64xf32, #tpu.memory_space<vmem>> -> memref<1x128x64xf32, #tpu.memory_space<vmem>>
    %dma_start3A_18 = tpu.memref_squeeze %dma_start3A_17 : memref<1x128x64xf32, #tpu.memory_space<vmem>> -> memref<128x64xf32, #tpu.memory_space<vmem>>
    %dma_start3A_19 = arith.constant 0 : i32
    %dma_start3A_20 = tpu.memref_slice %arg8[%dma_start3A, %dma_start3A_19] : memref<80x128xi32, #tpu.memory_space<vmem>> -> memref<1x128xi32, #tpu.memory_space<vmem>>
    %dma_start3A_21 = tpu.memref_squeeze %dma_start3A_20 : memref<1x128xi32, #tpu.memory_space<vmem>> -> memref<128xi32, #tpu.memory_space<vmem>>
    %dma_start3A_22 = arith.constant 0 : i32
    %dma_start3A_23 = arith.constant 0 : i32
    %dma_start3A_24 = tpu.memref_slice %arg11[%dma_start3A_22, %dma_start3A_23] : memref<10240x64xf32, #tpu.memory_space<vmem_shared>> -> memref<10240x64xf32, #tpu.memory_space<vmem_shared>>
    %dma_start3A_25 = tpu.memref_slice %arg13[%dma_start3A_14] : memref<3x!tpu.dma_semaphore, #tpu.memory_space<semaphore_mem>> -> memref<1x!tpu.dma_semaphore, #tpu.memory_space<semaphore_mem>>
    %dma_start3A_26 = tpu.memref_squeeze %dma_start3A_25 : memref<1x!tpu.dma_semaphore, #tpu.memory_space<semaphore_mem>> -> memref<!tpu.dma_semaphore, #tpu.memory_space<semaphore_mem>>
    tpu.enqueue_indirect_dma source(%dma_start3A_24 : memref<10240x64xf32, #tpu.memory_space<vmem_shared>>) target(%dma_start3A_18 : memref<128x64xf32, #tpu.memory_space<vmem>>) offsets(%dma_start3A_21 : memref<128xi32, #tpu.memory_space<vmem>>) semaphore(%dma_start3A_26 : memref<!tpu.dma_semaphore, #tpu.memory_space<semaphore_mem>>)
    %scan3A_27 = arith.constant 0 : i32
    %scan3A_28 = arith.constant 80 : i32
    %scan3A_29 = arith.addi %scan3A_27, %scan3A_28 : i32
    %scan3A_30 = arith.constant 1 : i32
    scf.for %scan3A_144 = %scan3A_27 to %scan3A_29 step %scan3A_30  : i32 {
      %mul3A_145 = arith.constant 1 : i32
      %mul3A_146 = arith.muli %scan3A_144, %mul3A_145 : i32
      %add3A_147 = arith.constant 0 : i32
      %add3A_148 = arith.addi %add3A_147, %mul3A_146 : i32
      %rem3A = arith.constant 3 : i32
      %rem3A_149 = arith.remsi %add3A_148, %rem3A : i32
      %add3A_150 = arith.constant 1 : i32
      %add3A_151 = arith.addi %add3A_148, %add3A_150 : i32
      %rem3A_152 = arith.constant 3 : i32
      %rem3A_153 = arith.remsi %add3A_151, %rem3A_152 : i32
      %ge3A = arith.constant 2 : i32
      %ge3A_154 = arith.cmpi sge, %add3A_148, %ge3A : i32
      %convert_element_type3A = arith.extui %ge3A_154 : i1 to i32
      %cond3A = arith.constant 0 : i32
      %cond3A_155 = arith.cmpi ne, %convert_element_type3A, %cond3A : i32
      scf.if %cond3A_155 {
        %dma_wait3A_190 = arith.constant 0 : i32
        %dma_wait3A_191 = arith.constant 0 : i32
        %dma_wait3A_192 = tpu.memref_slice %arg10[%rem3A_153, %dma_wait3A_190, %dma_wait3A_191] : memref<3x128x64xf32, #tpu.memory_space<vmem>> -> memref<1x128x64xf32, #tpu.memory_space<vmem>>
        %dma_wait3A_193 = tpu.memref_squeeze %dma_wait3A_192 : memref<1x128x64xf32, #tpu.memory_space<vmem>> -> memref<128x64xf32, #tpu.memory_space<vmem>>
        %dma_wait3A_194 = arith.constant 0 : i32
        %dma_wait3A_195 = arith.constant 0 : i32
        %dma_wait3A_196 = tpu.memref_slice %arg12[%dma_wait3A_194, %dma_wait3A_195] : memref<10240x64xf32, #tpu.memory_space<vmem_shared>> -> memref<128x64xf32, #tpu.memory_space<vmem_shared>>
        %dma_wait3A_197 = tpu.memref_slice %arg14[%rem3A_153] : memref<3x!tpu.dma_semaphore, #tpu.memory_space<semaphore_mem>> -> memref<1x!tpu.dma_semaphore, #tpu.memory_space<semaphore_mem>>
        %dma_wait3A_198 = tpu.memref_squeeze %dma_wait3A_197 : memref<1x!tpu.dma_semaphore, #tpu.memory_space<semaphore_mem>> -> memref<!tpu.dma_semaphore, #tpu.memory_space<semaphore_mem>>
        %dma_wait3A_199 = arith.constant 0 : i32
        %dma_wait3A_200 = arith.constant 0 : i32
        %dma_wait3A_201 = tpu.memref_slice %arg12[%dma_wait3A_199, %dma_wait3A_200] : memref<10240x64xf32, #tpu.memory_space<vmem_shared>> -> memref<128x64xf32, #tpu.memory_space<vmem_shared>>
        %dma_wait3A_202 = arith.constant 0 : i32
        %dma_wait3A_203 = arith.constant 0 : i32
        %dma_wait3A_204 = tpu.memref_slice %arg10[%rem3A_153, %dma_wait3A_202, %dma_wait3A_203] : memref<3x128x64xf32, #tpu.memory_space<vmem>> -> memref<1x128x64xf32, #tpu.memory_space<vmem>>
        %dma_wait3A_205 = tpu.memref_squeeze %dma_wait3A_204 : memref<1x128x64xf32, #tpu.memory_space<vmem>> -> memref<128x64xf32, #tpu.memory_space<vmem>>
        tpu.wait_dma2 semaphore(%dma_wait3A_198 : memref<!tpu.dma_semaphore, #tpu.memory_space<semaphore_mem>>) src(%dma_wait3A_205 : memref<128x64xf32, #tpu.memory_space<vmem>>) dst(%dma_wait3A_201 : memref<128x64xf32, #tpu.memory_space<vmem_shared>>)
      } else {
      }
      %add3A_156 = arith.constant 1 : i32
      %add3A_157 = arith.addi %add3A_148, %add3A_156 : i32
      %lt3A = arith.constant 80 : i32
      %lt3A_158 = arith.cmpi slt, %add3A_157, %lt3A : i32
      %convert_element_type3A_159 = arith.extui %lt3A_158 : i1 to i32
      %cond3A_160 = arith.constant 0 : i32
      %cond3A_161 = arith.cmpi ne, %convert_element_type3A_159, %cond3A_160 : i32
      scf.if %cond3A_161 {
        %add3A_190 = arith.constant 1 : i32
        %add3A_191 = arith.addi %add3A_148, %add3A_190 : i32
        %dma_start3A_192 = arith.constant 0 : i32
        %dma_start3A_193 = arith.constant 0 : i32
        %dma_start3A_194 = tpu.memref_slice %arg10[%rem3A_153, %dma_start3A_192, %dma_start3A_193] : memref<3x128x64xf32, #tpu.memory_space<vmem>> -> memref<1x128x64xf32, #tpu.memory_space<vmem>>
        %dma_start3A_195 = tpu.memref_squeeze %dma_start3A_194 : memref<1x128x64xf32, #tpu.memory_space<vmem>> -> memref<128x64xf32, #tpu.memory_space<vmem>>
        %dma_start3A_196 = arith.constant 0 : i32
        %dma_start3A_197 = tpu.memref_slice %arg8[%add3A_191, %dma_start3A_196] : memref<80x128xi32, #tpu.memory_space<vmem>> -> memref<1x128xi32, #tpu.memory_space<vmem>>
        %dma_start3A_198 = tpu.memref_squeeze %dma_start3A_197 : memref<1x128xi32, #tpu.memory_space<vmem>> -> memref<128xi32, #tpu.memory_space<vmem>>
        %dma_start3A_199 = arith.constant 0 : i32
        %dma_start3A_200 = arith.constant 0 : i32
        %dma_start3A_201 = tpu.memref_slice %arg11[%dma_start3A_199, %dma_start3A_200] : memref<10240x64xf32, #tpu.memory_space<vmem_shared>> -> memref<10240x64xf32, #tpu.memory_space<vmem_shared>>
        %dma_start3A_202 = tpu.memref_slice %arg13[%rem3A_153] : memref<3x!tpu.dma_semaphore, #tpu.memory_space<semaphore_mem>> -> memref<1x!tpu.dma_semaphore, #tpu.memory_space<semaphore_mem>>
        %dma_start3A_203 = tpu.memref_squeeze %dma_start3A_202 : memref<1x!tpu.dma_semaphore, #tpu.memory_space<semaphore_mem>> -> memref<!tpu.dma_semaphore, #tpu.memory_space<semaphore_mem>>
        tpu.enqueue_indirect_dma source(%dma_start3A_201 : memref<10240x64xf32, #tpu.memory_space<vmem_shared>>) target(%dma_start3A_195 : memref<128x64xf32, #tpu.memory_space<vmem>>) offsets(%dma_start3A_198 : memref<128xi32, #tpu.memory_space<vmem>>) semaphore(%dma_start3A_203 : memref<!tpu.dma_semaphore, #tpu.memory_space<semaphore_mem>>)
      } else {
      }
      %dma_wait3A_162 = arith.constant 0 : i32
      %dma_wait3A_163 = arith.constant 0 : i32
      %dma_wait3A_164 = tpu.memref_slice %arg10[%rem3A_149, %dma_wait3A_162, %dma_wait3A_163] : memref<3x128x64xf32, #tpu.memory_space<vmem>> -> memref<1x128x64xf32, #tpu.memory_space<vmem>>
      %dma_wait3A_165 = tpu.memref_squeeze %dma_wait3A_164 : memref<1x128x64xf32, #tpu.memory_space<vmem>> -> memref<128x64xf32, #tpu.memory_space<vmem>>
      %dma_wait3A_166 = arith.constant 0 : i32
      %dma_wait3A_167 = arith.constant 0 : i32
      %dma_wait3A_168 = tpu.memref_slice %arg11[%dma_wait3A_166, %dma_wait3A_167] : memref<10240x64xf32, #tpu.memory_space<vmem_shared>> -> memref<128x64xf32, #tpu.memory_space<vmem_shared>>
      %dma_wait3A_169 = tpu.memref_slice %arg13[%rem3A_149] : memref<3x!tpu.dma_semaphore, #tpu.memory_space<semaphore_mem>> -> memref<1x!tpu.dma_semaphore, #tpu.memory_space<semaphore_mem>>
      %dma_wait3A_170 = tpu.memref_squeeze %dma_wait3A_169 : memref<1x!tpu.dma_semaphore, #tpu.memory_space<semaphore_mem>> -> memref<!tpu.dma_semaphore, #tpu.memory_space<semaphore_mem>>
      %dma_wait3A_171 = arith.constant 0 : i32
      %dma_wait3A_172 = arith.constant 0 : i32
      %dma_wait3A_173 = tpu.memref_slice %arg10[%rem3A_149, %dma_wait3A_171, %dma_wait3A_172] : memref<3x128x64xf32, #tpu.memory_space<vmem>> -> memref<1x128x64xf32, #tpu.memory_space<vmem>>
      %dma_wait3A_174 = tpu.memref_squeeze %dma_wait3A_173 : memref<1x128x64xf32, #tpu.memory_space<vmem>> -> memref<128x64xf32, #tpu.memory_space<vmem>>
      %dma_wait3A_175 = arith.constant 0 : i32
      %dma_wait3A_176 = arith.constant 0 : i32
      %dma_wait3A_177 = tpu.memref_slice %arg11[%dma_wait3A_175, %dma_wait3A_176] : memref<10240x64xf32, #tpu.memory_space<vmem_shared>> -> memref<128x64xf32, #tpu.memory_space<vmem_shared>>
      tpu.wait_dma2 semaphore(%dma_wait3A_170 : memref<!tpu.dma_semaphore, #tpu.memory_space<semaphore_mem>>) src(%dma_wait3A_177 : memref<128x64xf32, #tpu.memory_space<vmem_shared>>) dst(%dma_wait3A_174 : memref<128x64xf32, #tpu.memory_space<vmem>>)
      %dma_start3A_178 = arith.constant 0 : i32
      %dma_start3A_179 = arith.constant 0 : i32
      %dma_start3A_180 = tpu.memref_slice %arg10[%rem3A_149, %dma_start3A_178, %dma_start3A_179] : memref<3x128x64xf32, #tpu.memory_space<vmem>> -> memref<1x128x64xf32, #tpu.memory_space<vmem>>
      %dma_start3A_181 = tpu.memref_squeeze %dma_start3A_180 : memref<1x128x64xf32, #tpu.memory_space<vmem>> -> memref<128x64xf32, #tpu.memory_space<vmem>>
      %dma_start3A_182 = arith.constant 0 : i32
      %dma_start3A_183 = tpu.memref_slice %arg9[%add3A_148, %dma_start3A_182] : memref<80x128xi32, #tpu.memory_space<vmem>> -> memref<1x128xi32, #tpu.memory_space<vmem>>
      %dma_start3A_184 = tpu.memref_squeeze %dma_start3A_183 : memref<1x128xi32, #tpu.memory_space<vmem>> -> memref<128xi32, #tpu.memory_space<vmem>>
      %dma_start3A_185 = arith.constant 0 : i32
      %dma_start3A_186 = arith.constant 0 : i32
      %dma_start3A_187 = tpu.memref_slice %arg12[%dma_start3A_185, %dma_start3A_186] : memref<10240x64xf32, #tpu.memory_space<vmem_shared>> -> memref<10240x64xf32, #tpu.memory_space<vmem_shared>>
      %dma_start3A_188 = tpu.memref_slice %arg14[%rem3A_149] : memref<3x!tpu.dma_semaphore, #tpu.memory_space<semaphore_mem>> -> memref<1x!tpu.dma_semaphore, #tpu.memory_space<semaphore_mem>>
      %dma_start3A_189 = tpu.memref_squeeze %dma_start3A_188 : memref<1x!tpu.dma_semaphore, #tpu.memory_space<semaphore_mem>> -> memref<!tpu.dma_semaphore, #tpu.memory_space<semaphore_mem>>
      tpu.enqueue_indirect_dma source(%dma_start3A_181 : memref<128x64xf32, #tpu.memory_space<vmem>>) target(%dma_start3A_187 : memref<10240x64xf32, #tpu.memory_space<vmem_shared>>) offsets(%dma_start3A_184 : memref<128xi32, #tpu.memory_space<vmem>>) semaphore(%dma_start3A_189 : memref<!tpu.dma_semaphore, #tpu.memory_space<semaphore_mem>>) {add = true}
    }
    %scan3A_31 = arith.constant 80 : i32
    %dma_wait3A = arith.constant 0 : i32
    %dma_wait3A_32 = arith.constant 0 : i32
    %dma_wait3A_33 = arith.constant 0 : i32
    %dma_wait3A_34 = arith.constant 0 : i32
    %dma_wait3A_35 = tpu.memref_slice %arg10[%dma_wait3A, %dma_wait3A_33, %dma_wait3A_34] : memref<3x128x64xf32, #tpu.memory_space<vmem>> -> memref<1x128x64xf32, #tpu.memory_space<vmem>>
    %dma_wait3A_36 = tpu.memref_squeeze %dma_wait3A_35 : memref<1x128x64xf32, #tpu.memory_space<vmem>> -> memref<128x64xf32, #tpu.memory_space<vmem>>
    %dma_wait3A_37 = arith.constant 0 : i32
    %dma_wait3A_38 = arith.constant 0 : i32
    %dma_wait3A_39 = tpu.memref_slice %arg12[%dma_wait3A_37, %dma_wait3A_38] : memref<10240x64xf32, #tpu.memory_space<vmem_shared>> -> memref<128x64xf32, #tpu.memory_space<vmem_shared>>
    %dma_wait3A_40 = tpu.memref_slice %arg14[%dma_wait3A_32] : memref<3x!tpu.dma_semaphore, #tpu.memory_space<semaphore_mem>> -> memref<1x!tpu.dma_semaphore, #tpu.memory_space<semaphore_mem>>
    %dma_wait3A_41 = tpu.memref_squeeze %dma_wait3A_40 : memref<1x!tpu.dma_semaphore, #tpu.memory_space<semaphore_mem>> -> memref<!tpu.dma_semaphore, #tpu.memory_space<semaphore_mem>>
    %dma_wait3A_42 = arith.constant 0 : i32
    %dma_wait3A_43 = arith.constant 0 : i32
    %dma_wait3A_44 = tpu.memref_slice %arg12[%dma_wait3A_42, %dma_wait3A_43] : memref<10240x64xf32, #tpu.memory_space<vmem_shared>> -> memref<128x64xf32, #tpu.memory_space<vmem_shared>>
    %dma_wait3A_45 = arith.constant 0 : i32
    %dma_wait3A_46 = arith.constant 0 : i32
    %dma_wait3A_47 = tpu.memref_slice %arg10[%dma_wait3A, %dma_wait3A_45, %dma_wait3A_46] : memref<3x128x64xf32, #tpu.memory_space<vmem>> -> memref<1x128x64xf32, #tpu.memory_space<vmem>>
    %dma_wait3A_48 = tpu.memref_squeeze %dma_wait3A_47 : memref<1x128x64xf32, #tpu.memory_space<vmem>> -> memref<128x64xf32, #tpu.memory_space<vmem>>
    tpu.wait_dma2 semaphore(%dma_wait3A_41 : memref<!tpu.dma_semaphore, #tpu.memory_space<semaphore_mem>>) src(%dma_wait3A_48 : memref<128x64xf32, #tpu.memory_space<vmem>>) dst(%dma_wait3A_44 : memref<128x64xf32, #tpu.memory_space<vmem_shared>>)
    %dma_wait3A_49 = arith.constant 1 : i32
    %dma_wait3A_50 = arith.constant 1 : i32
    %dma_wait3A_51 = arith.constant 0 : i32
    %dma_wait3A_52 = arith.constant 0 : i32
    %dma_wait3A_53 = tpu.memref_slice %arg10[%dma_wait3A_49, %dma_wait3A_51, %dma_wait3A_52] : memref<3x128x64xf32, #tpu.memory_space<vmem>> -> memref<1x128x64xf32, #tpu.memory_space<vmem>>
    %dma_wait3A_54 = tpu.memref_squeeze %dma_wait3A_53 : memref<1x128x64xf32, #tpu.memory_space<vmem>> -> memref<128x64xf32, #tpu.memory_space<vmem>>
    %dma_wait3A_55 = arith.constant 0 : i32
    %dma_wait3A_56 = arith.constant 0 : i32
    %dma_wait3A_57 = tpu.memref_slice %arg12[%dma_wait3A_55, %dma_wait3A_56] : memref<10240x64xf32, #tpu.memory_space<vmem_shared>> -> memref<128x64xf32, #tpu.memory_space<vmem_shared>>
    %dma_wait3A_58 = tpu.memref_slice %arg14[%dma_wait3A_50] : memref<3x!tpu.dma_semaphore, #tpu.memory_space<semaphore_mem>> -> memref<1x!tpu.dma_semaphore, #tpu.memory_space<semaphore_mem>>
    %dma_wait3A_59 = tpu.memref_squeeze %dma_wait3A_58 : memref<1x!tpu.dma_semaphore, #tpu.memory_space<semaphore_mem>> -> memref<!tpu.dma_semaphore, #tpu.memory_space<semaphore_mem>>
    %dma_wait3A_60 = arith.constant 0 : i32
    %dma_wait3A_61 = arith.constant 0 : i32
    %dma_wait3A_62 = tpu.memref_slice %arg12[%dma_wait3A_60, %dma_wait3A_61] : memref<10240x64xf32, #tpu.memory_space<vmem_shared>> -> memref<128x64xf32, #tpu.memory_space<vmem_shared>>
    %dma_wait3A_63 = arith.constant 0 : i32
    %dma_wait3A_64 = arith.constant 0 : i32
    %dma_wait3A_65 = tpu.memref_slice %arg10[%dma_wait3A_49, %dma_wait3A_63, %dma_wait3A_64] : memref<3x128x64xf32, #tpu.memory_space<vmem>> -> memref<1x128x64xf32, #tpu.memory_space<vmem>>
    %dma_wait3A_66 = tpu.memref_squeeze %dma_wait3A_65 : memref<1x128x64xf32, #tpu.memory_space<vmem>> -> memref<128x64xf32, #tpu.memory_space<vmem>>
    tpu.wait_dma2 semaphore(%dma_wait3A_59 : memref<!tpu.dma_semaphore, #tpu.memory_space<semaphore_mem>>) src(%dma_wait3A_66 : memref<128x64xf32, #tpu.memory_space<vmem>>) dst(%dma_wait3A_62 : memref<128x64xf32, #tpu.memory_space<vmem_shared>>)
    %barrier3A_67 = arith.constant 0 : index
    tpu.barrier barrier_id(%barrier3A_67)
    %mul3A_68 = arith.constant 640 : i32
    %mul3A_69 = arith.muli %arg1, %mul3A_68 : i32
    %mul3A_70 = arith.constant 640 : i32
    %mul3A_71 = arith.muli %arg1, %mul3A_70 : i32
    %run_scoped3A = arith.constant 0 : i32
    "tpu.region"() ({
      %run_scoped3A_144 = tpu.sem_alloc : memref<!tpu.dma_semaphore, #tpu.memory_space<semaphore_mem>>
      %dma_start3A_145 = arith.constant 0 : i32
      %dma_start3A_146 = tpu.memref_slice %arg7[%run_scoped3A, %arg0, %mul3A_71, %dma_start3A_145] : memref<2x2x10240x64xf32, #tpu.memory_space<hbm>> -> memref<1x1x640x64xf32, #tpu.memory_space<hbm>>
      %dma_start3A_147 = tpu.memref_squeeze %dma_start3A_146 : memref<1x1x640x64xf32, #tpu.memory_space<hbm>> -> memref<640x64xf32, #tpu.memory_space<hbm>>
      %dma_start3A_148 = arith.constant 0 : i32
      %dma_start3A_149 = tpu.memref_slice %arg12[%mul3A_69, %dma_start3A_148] : memref<10240x64xf32, #tpu.memory_space<vmem_shared>> -> memref<640x64xf32, #tpu.memory_space<vmem_shared>>
      tpu.enqueue_dma source(%dma_start3A_149 : memref<640x64xf32, #tpu.memory_space<vmem_shared>>) target(%dma_start3A_147 : memref<640x64xf32, #tpu.memory_space<hbm>>) target_semaphore(%run_scoped3A_144 : memref<!tpu.dma_semaphore, #tpu.memory_space<semaphore_mem>>)
      %dma_wait3A_150 = arith.constant 0 : i32
      %dma_wait3A_151 = tpu.memref_slice %arg7[%run_scoped3A, %arg0, %mul3A_71, %dma_wait3A_150] : memref<2x2x10240x64xf32, #tpu.memory_space<hbm>> -> memref<1x1x640x64xf32, #tpu.memory_space<hbm>>
      %dma_wait3A_152 = tpu.memref_squeeze %dma_wait3A_151 : memref<1x1x640x64xf32, #tpu.memory_space<hbm>> -> memref<640x64xf32, #tpu.memory_space<hbm>>
      %dma_wait3A_153 = arith.constant 0 : i32
      %dma_wait3A_154 = tpu.memref_slice %arg12[%mul3A_69, %dma_wait3A_153] : memref<10240x64xf32, #tpu.memory_space<vmem_shared>> -> memref<640x64xf32, #tpu.memory_space<vmem_shared>>
      tpu.wait_dma2 semaphore(%run_scoped3A_144 : memref<!tpu.dma_semaphore, #tpu.memory_space<semaphore_mem>>) src(%dma_wait3A_154 : memref<640x64xf32, #tpu.memory_space<vmem_shared>>) dst(%dma_wait3A_152 : memref<640x64xf32, #tpu.memory_space<hbm>>)
      tpu.yield
    }) : () -> ()
    %mul3A_72 = arith.constant 640 : i32
    %mul3A_73 = arith.muli %arg1, %mul3A_72 : i32
    %mul3A_74 = arith.constant 640 : i32
    %mul3A_75 = arith.muli %arg1, %mul3A_74 : i32
    "tpu.region"() ({
      %run_scoped3A_144 = tpu.sem_alloc : memref<!tpu.dma_semaphore, #tpu.memory_space<semaphore_mem>>
      %dma_start3A_145 = arith.constant 0 : i32
      %dma_start3A_146 = tpu.memref_slice %arg11[%mul3A_75, %dma_start3A_145] : memref<10240x64xf32, #tpu.memory_space<vmem_shared>> -> memref<640x64xf32, #tpu.memory_space<vmem_shared>>
      %dma_start3A_147 = arith.constant 0 : i32
      %dma_start3A_148 = tpu.memref_slice %arg3[%mul3A_73, %dma_start3A_147] : memref<10240x64xf32, #tpu.memory_space<hbm>> -> memref<640x64xf32, #tpu.memory_space<hbm>>
      tpu.enqueue_dma source(%dma_start3A_148 : memref<640x64xf32, #tpu.memory_space<hbm>>) target(%dma_start3A_146 : memref<640x64xf32, #tpu.memory_space<vmem_shared>>) target_semaphore(%run_scoped3A_144 : memref<!tpu.dma_semaphore, #tpu.memory_space<semaphore_mem>>)
      %dma_wait3A_149 = arith.constant 0 : i32
      %dma_wait3A_150 = tpu.memref_slice %arg11[%mul3A_75, %dma_wait3A_149] : memref<10240x64xf32, #tpu.memory_space<vmem_shared>> -> memref<640x64xf32, #tpu.memory_space<vmem_shared>>
      %dma_wait3A_151 = arith.constant 0 : i32
      %dma_wait3A_152 = tpu.memref_slice %arg3[%mul3A_73, %dma_wait3A_151] : memref<10240x64xf32, #tpu.memory_space<hbm>> -> memref<640x64xf32, #tpu.memory_space<hbm>>
      tpu.wait_dma2 semaphore(%run_scoped3A_144 : memref<!tpu.dma_semaphore, #tpu.memory_space<semaphore_mem>>) src(%dma_wait3A_152 : memref<640x64xf32, #tpu.memory_space<hbm>>) dst(%dma_wait3A_150 : memref<640x64xf32, #tpu.memory_space<vmem_shared>>)
      tpu.yield
    }) : () -> ()
    %scan3A_76 = arith.constant 0 : i32
    %scan3A_77 = arith.constant 5 : i32
    %scan3A_78 = arith.addi %scan3A_76, %scan3A_77 : i32
    %scan3A_79 = arith.constant 1 : i32
    scf.for %scan3A_144 = %scan3A_76 to %scan3A_78 step %scan3A_79  : i32 {
      %mul3A_145 = arith.constant 1 : i32
      %mul3A_146 = arith.muli %scan3A_144, %mul3A_145 : i32
      %add3A_147 = arith.constant 0 : i32
      %add3A_148 = arith.addi %add3A_147, %mul3A_146 : i32
      %mul3A_149 = arith.constant 640 : i32
      %mul3A_150 = arith.muli %arg1, %mul3A_149 : i32
      %mul3A_151 = arith.constant 128 : i32
      %mul3A_152 = arith.muli %add3A_148, %mul3A_151 : i32
      %add3A_153 = arith.addi %mul3A_150, %mul3A_152 : i32
      "tpu.region"() ({
        %run_scoped3A_154 = tpu.sem_alloc : memref<!tpu.dma_semaphore, #tpu.memory_space<semaphore_mem>>
        %dma_start3A_155 = arith.constant 0 : i32
        %dma_start3A_156 = tpu.memref_slice %arg12[%add3A_153, %dma_start3A_155] : memref<10240x64xf32, #tpu.memory_space<vmem_shared>> -> memref<128x64xf32, #tpu.memory_space<vmem_shared>>
        tpu.enqueue_dma source(%arg6 : memref<128x64xf32, #tpu.memory_space<hbm>>) target(%dma_start3A_156 : memref<128x64xf32, #tpu.memory_space<vmem_shared>>) target_semaphore(%run_scoped3A_154 : memref<!tpu.dma_semaphore, #tpu.memory_space<semaphore_mem>>)
        %dma_wait3A_157 = arith.constant 0 : i32
        %dma_wait3A_158 = tpu.memref_slice %arg12[%add3A_153, %dma_wait3A_157] : memref<10240x64xf32, #tpu.memory_space<vmem_shared>> -> memref<128x64xf32, #tpu.memory_space<vmem_shared>>
        tpu.wait_dma2 semaphore(%run_scoped3A_154 : memref<!tpu.dma_semaphore, #tpu.memory_space<semaphore_mem>>) src(%arg6 : memref<128x64xf32, #tpu.memory_space<hbm>>) dst(%dma_wait3A_158 : memref<128x64xf32, #tpu.memory_space<vmem_shared>>)
        tpu.yield
      }) : () -> ()
    }
    %scan3A_80 = arith.constant 5 : i32
    %barrier3A_81 = arith.constant 0 : index
    tpu.barrier barrier_id(%barrier3A_81)
    %dma_start3A_82 = arith.constant 0 : i32
    %dma_start3A_83 = arith.constant 0 : i32
    %dma_start3A_84 = arith.constant 0 : i32
    %dma_start3A_85 = arith.constant 0 : i32
    %dma_start3A_86 = arith.constant 0 : i32
    %dma_start3A_87 = tpu.memref_slice %arg10[%dma_start3A_83, %dma_start3A_85, %dma_start3A_86] : memref<3x128x64xf32, #tpu.memory_space<vmem>> -> memref<1x128x64xf32, #tpu.memory_space<vmem>>
    %dma_start3A_88 = tpu.memref_squeeze %dma_start3A_87 : memref<1x128x64xf32, #tpu.memory_space<vmem>> -> memref<128x64xf32, #tpu.memory_space<vmem>>
    %dma_start3A_89 = arith.constant 0 : i32
    %dma_start3A_90 = tpu.memref_slice %arg8[%dma_start3A_82, %dma_start3A_89] : memref<80x128xi32, #tpu.memory_space<vmem>> -> memref<1x128xi32, #tpu.memory_space<vmem>>
    %dma_start3A_91 = tpu.memref_squeeze %dma_start3A_90 : memref<1x128xi32, #tpu.memory_space<vmem>> -> memref<128xi32, #tpu.memory_space<vmem>>
    %dma_start3A_92 = arith.constant 0 : i32
    %dma_start3A_93 = arith.constant 0 : i32
    %dma_start3A_94 = tpu.memref_slice %arg11[%dma_start3A_92, %dma_start3A_93] : memref<10240x64xf32, #tpu.memory_space<vmem_shared>> -> memref<10240x64xf32, #tpu.memory_space<vmem_shared>>
    %dma_start3A_95 = tpu.memref_slice %arg13[%dma_start3A_84] : memref<3x!tpu.dma_semaphore, #tpu.memory_space<semaphore_mem>> -> memref<1x!tpu.dma_semaphore, #tpu.memory_space<semaphore_mem>>
    %dma_start3A_96 = tpu.memref_squeeze %dma_start3A_95 : memref<1x!tpu.dma_semaphore, #tpu.memory_space<semaphore_mem>> -> memref<!tpu.dma_semaphore, #tpu.memory_space<semaphore_mem>>
    tpu.enqueue_indirect_dma source(%dma_start3A_94 : memref<10240x64xf32, #tpu.memory_space<vmem_shared>>) target(%dma_start3A_88 : memref<128x64xf32, #tpu.memory_space<vmem>>) offsets(%dma_start3A_91 : memref<128xi32, #tpu.memory_space<vmem>>) semaphore(%dma_start3A_96 : memref<!tpu.dma_semaphore, #tpu.memory_space<semaphore_mem>>)
    %scan3A_97 = arith.constant 0 : i32
    %scan3A_98 = arith.constant 80 : i32
    %scan3A_99 = arith.addi %scan3A_97, %scan3A_98 : i32
    %scan3A_100 = arith.constant 1 : i32
    scf.for %scan3A_144 = %scan3A_97 to %scan3A_99 step %scan3A_100  : i32 {
      %mul3A_145 = arith.constant 1 : i32
      %mul3A_146 = arith.muli %scan3A_144, %mul3A_145 : i32
      %add3A_147 = arith.constant 0 : i32
      %add3A_148 = arith.addi %add3A_147, %mul3A_146 : i32
      %rem3A = arith.constant 3 : i32
      %rem3A_149 = arith.remsi %add3A_148, %rem3A : i32
      %add3A_150 = arith.constant 1 : i32
      %add3A_151 = arith.addi %add3A_148, %add3A_150 : i32
      %rem3A_152 = arith.constant 3 : i32
      %rem3A_153 = arith.remsi %add3A_151, %rem3A_152 : i32
      %ge3A = arith.constant 2 : i32
      %ge3A_154 = arith.cmpi sge, %add3A_148, %ge3A : i32
      %convert_element_type3A = arith.extui %ge3A_154 : i1 to i32
      %cond3A = arith.constant 0 : i32
      %cond3A_155 = arith.cmpi ne, %convert_element_type3A, %cond3A : i32
      scf.if %cond3A_155 {
        %dma_wait3A_190 = arith.constant 0 : i32
        %dma_wait3A_191 = arith.constant 0 : i32
        %dma_wait3A_192 = tpu.memref_slice %arg10[%rem3A_153, %dma_wait3A_190, %dma_wait3A_191] : memref<3x128x64xf32, #tpu.memory_space<vmem>> -> memref<1x128x64xf32, #tpu.memory_space<vmem>>
        %dma_wait3A_193 = tpu.memref_squeeze %dma_wait3A_192 : memref<1x128x64xf32, #tpu.memory_space<vmem>> -> memref<128x64xf32, #tpu.memory_space<vmem>>
        %dma_wait3A_194 = arith.constant 0 : i32
        %dma_wait3A_195 = arith.constant 0 : i32
        %dma_wait3A_196 = tpu.memref_slice %arg12[%dma_wait3A_194, %dma_wait3A_195] : memref<10240x64xf32, #tpu.memory_space<vmem_shared>> -> memref<128x64xf32, #tpu.memory_space<vmem_shared>>
        %dma_wait3A_197 = tpu.memref_slice %arg14[%rem3A_153] : memref<3x!tpu.dma_semaphore, #tpu.memory_space<semaphore_mem>> -> memref<1x!tpu.dma_semaphore, #tpu.memory_space<semaphore_mem>>
        %dma_wait3A_198 = tpu.memref_squeeze %dma_wait3A_197 : memref<1x!tpu.dma_semaphore, #tpu.memory_space<semaphore_mem>> -> memref<!tpu.dma_semaphore, #tpu.memory_space<semaphore_mem>>
        %dma_wait3A_199 = arith.constant 0 : i32
        %dma_wait3A_200 = arith.constant 0 : i32
        %dma_wait3A_201 = tpu.memref_slice %arg12[%dma_wait3A_199, %dma_wait3A_200] : memref<10240x64xf32, #tpu.memory_space<vmem_shared>> -> memref<128x64xf32, #tpu.memory_space<vmem_shared>>
        %dma_wait3A_202 = arith.constant 0 : i32
        %dma_wait3A_203 = arith.constant 0 : i32
        %dma_wait3A_204 = tpu.memref_slice %arg10[%rem3A_153, %dma_wait3A_202, %dma_wait3A_203] : memref<3x128x64xf32, #tpu.memory_space<vmem>> -> memref<1x128x64xf32, #tpu.memory_space<vmem>>
        %dma_wait3A_205 = tpu.memref_squeeze %dma_wait3A_204 : memref<1x128x64xf32, #tpu.memory_space<vmem>> -> memref<128x64xf32, #tpu.memory_space<vmem>>
        tpu.wait_dma2 semaphore(%dma_wait3A_198 : memref<!tpu.dma_semaphore, #tpu.memory_space<semaphore_mem>>) src(%dma_wait3A_205 : memref<128x64xf32, #tpu.memory_space<vmem>>) dst(%dma_wait3A_201 : memref<128x64xf32, #tpu.memory_space<vmem_shared>>)
      } else {
      }
      %add3A_156 = arith.constant 1 : i32
      %add3A_157 = arith.addi %add3A_148, %add3A_156 : i32
      %lt3A = arith.constant 80 : i32
      %lt3A_158 = arith.cmpi slt, %add3A_157, %lt3A : i32
      %convert_element_type3A_159 = arith.extui %lt3A_158 : i1 to i32
      %cond3A_160 = arith.constant 0 : i32
      %cond3A_161 = arith.cmpi ne, %convert_element_type3A_159, %cond3A_160 : i32
      scf.if %cond3A_161 {
        %add3A_190 = arith.constant 1 : i32
        %add3A_191 = arith.addi %add3A_148, %add3A_190 : i32
        %dma_start3A_192 = arith.constant 0 : i32
        %dma_start3A_193 = arith.constant 0 : i32
        %dma_start3A_194 = tpu.memref_slice %arg10[%rem3A_153, %dma_start3A_192, %dma_start3A_193] : memref<3x128x64xf32, #tpu.memory_space<vmem>> -> memref<1x128x64xf32, #tpu.memory_space<vmem>>
        %dma_start3A_195 = tpu.memref_squeeze %dma_start3A_194 : memref<1x128x64xf32, #tpu.memory_space<vmem>> -> memref<128x64xf32, #tpu.memory_space<vmem>>
        %dma_start3A_196 = arith.constant 0 : i32
        %dma_start3A_197 = tpu.memref_slice %arg8[%add3A_191, %dma_start3A_196] : memref<80x128xi32, #tpu.memory_space<vmem>> -> memref<1x128xi32, #tpu.memory_space<vmem>>
        %dma_start3A_198 = tpu.memref_squeeze %dma_start3A_197 : memref<1x128xi32, #tpu.memory_space<vmem>> -> memref<128xi32, #tpu.memory_space<vmem>>
        %dma_start3A_199 = arith.constant 0 : i32
        %dma_start3A_200 = arith.constant 0 : i32
        %dma_start3A_201 = tpu.memref_slice %arg11[%dma_start3A_199, %dma_start3A_200] : memref<10240x64xf32, #tpu.memory_space<vmem_shared>> -> memref<10240x64xf32, #tpu.memory_space<vmem_shared>>
        %dma_start3A_202 = tpu.memref_slice %arg13[%rem3A_153] : memref<3x!tpu.dma_semaphore, #tpu.memory_space<semaphore_mem>> -> memref<1x!tpu.dma_semaphore, #tpu.memory_space<semaphore_mem>>
        %dma_start3A_203 = tpu.memref_squeeze %dma_start3A_202 : memref<1x!tpu.dma_semaphore, #tpu.memory_space<semaphore_mem>> -> memref<!tpu.dma_semaphore, #tpu.memory_space<semaphore_mem>>
        tpu.enqueue_indirect_dma source(%dma_start3A_201 : memref<10240x64xf32, #tpu.memory_space<vmem_shared>>) target(%dma_start3A_195 : memref<128x64xf32, #tpu.memory_space<vmem>>) offsets(%dma_start3A_198 : memref<128xi32, #tpu.memory_space<vmem>>) semaphore(%dma_start3A_203 : memref<!tpu.dma_semaphore, #tpu.memory_space<semaphore_mem>>)
      } else {
      }
      %dma_wait3A_162 = arith.constant 0 : i32
      %dma_wait3A_163 = arith.constant 0 : i32
      %dma_wait3A_164 = tpu.memref_slice %arg10[%rem3A_149, %dma_wait3A_162, %dma_wait3A_163] : memref<3x128x64xf32, #tpu.memory_space<vmem>> -> memref<1x128x64xf32, #tpu.memory_space<vmem>>
      %dma_wait3A_165 = tpu.memref_squeeze %dma_wait3A_164 : memref<1x128x64xf32, #tpu.memory_space<vmem>> -> memref<128x64xf32, #tpu.memory_space<vmem>>
      %dma_wait3A_166 = arith.constant 0 : i32
      %dma_wait3A_167 = arith.constant 0 : i32
      %dma_wait3A_168 = tpu.memref_slice %arg11[%dma_wait3A_166, %dma_wait3A_167] : memref<10240x64xf32, #tpu.memory_space<vmem_shared>> -> memref<128x64xf32, #tpu.memory_space<vmem_shared>>
      %dma_wait3A_169 = tpu.memref_slice %arg13[%rem3A_149] : memref<3x!tpu.dma_semaphore, #tpu.memory_space<semaphore_mem>> -> memref<1x!tpu.dma_semaphore, #tpu.memory_space<semaphore_mem>>
      %dma_wait3A_170 = tpu.memref_squeeze %dma_wait3A_169 : memref<1x!tpu.dma_semaphore, #tpu.memory_space<semaphore_mem>> -> memref<!tpu.dma_semaphore, #tpu.memory_space<semaphore_mem>>
      %dma_wait3A_171 = arith.constant 0 : i32
      %dma_wait3A_172 = arith.constant 0 : i32
      %dma_wait3A_173 = tpu.memref_slice %arg10[%rem3A_149, %dma_wait3A_171, %dma_wait3A_172] : memref<3x128x64xf32, #tpu.memory_space<vmem>> -> memref<1x128x64xf32, #tpu.memory_space<vmem>>
      %dma_wait3A_174 = tpu.memref_squeeze %dma_wait3A_173 : memref<1x128x64xf32, #tpu.memory_space<vmem>> -> memref<128x64xf32, #tpu.memory_space<vmem>>
      %dma_wait3A_175 = arith.constant 0 : i32
      %dma_wait3A_176 = arith.constant 0 : i32
      %dma_wait3A_177 = tpu.memref_slice %arg11[%dma_wait3A_175, %dma_wait3A_176] : memref<10240x64xf32, #tpu.memory_space<vmem_shared>> -> memref<128x64xf32, #tpu.memory_space<vmem_shared>>
      tpu.wait_dma2 semaphore(%dma_wait3A_170 : memref<!tpu.dma_semaphore, #tpu.memory_space<semaphore_mem>>) src(%dma_wait3A_177 : memref<128x64xf32, #tpu.memory_space<vmem_shared>>) dst(%dma_wait3A_174 : memref<128x64xf32, #tpu.memory_space<vmem>>)
      %dma_start3A_178 = arith.constant 0 : i32
      %dma_start3A_179 = arith.constant 0 : i32
      %dma_start3A_180 = tpu.memref_slice %arg10[%rem3A_149, %dma_start3A_178, %dma_start3A_179] : memref<3x128x64xf32, #tpu.memory_space<vmem>> -> memref<1x128x64xf32, #tpu.memory_space<vmem>>
      %dma_start3A_181 = tpu.memref_squeeze %dma_start3A_180 : memref<1x128x64xf32, #tpu.memory_space<vmem>> -> memref<128x64xf32, #tpu.memory_space<vmem>>
      %dma_start3A_182 = arith.constant 0 : i32
      %dma_start3A_183 = tpu.memref_slice %arg9[%add3A_148, %dma_start3A_182] : memref<80x128xi32, #tpu.memory_space<vmem>> -> memref<1x128xi32, #tpu.memory_space<vmem>>
      %dma_start3A_184 = tpu.memref_squeeze %dma_start3A_183 : memref<1x128xi32, #tpu.memory_space<vmem>> -> memref<128xi32, #tpu.memory_space<vmem>>
      %dma_start3A_185 = arith.constant 0 : i32
      %dma_start3A_186 = arith.constant 0 : i32
      %dma_start3A_187 = tpu.memref_slice %arg12[%dma_start3A_185, %dma_start3A_186] : memref<10240x64xf32, #tpu.memory_space<vmem_shared>> -> memref<10240x64xf32, #tpu.memory_space<vmem_shared>>
      %dma_start3A_188 = tpu.memref_slice %arg14[%rem3A_149] : memref<3x!tpu.dma_semaphore, #tpu.memory_space<semaphore_mem>> -> memref<1x!tpu.dma_semaphore, #tpu.memory_space<semaphore_mem>>
      %dma_start3A_189 = tpu.memref_squeeze %dma_start3A_188 : memref<1x!tpu.dma_semaphore, #tpu.memory_space<semaphore_mem>> -> memref<!tpu.dma_semaphore, #tpu.memory_space<semaphore_mem>>
      tpu.enqueue_indirect_dma source(%dma_start3A_181 : memref<128x64xf32, #tpu.memory_space<vmem>>) target(%dma_start3A_187 : memref<10240x64xf32, #tpu.memory_space<vmem_shared>>) offsets(%dma_start3A_184 : memref<128xi32, #tpu.memory_space<vmem>>) semaphore(%dma_start3A_189 : memref<!tpu.dma_semaphore, #tpu.memory_space<semaphore_mem>>) {add = true}
    }
    %scan3A_101 = arith.constant 80 : i32
    %dma_wait3A_102 = arith.constant 0 : i32
    %dma_wait3A_103 = arith.constant 0 : i32
    %dma_wait3A_104 = arith.constant 0 : i32
    %dma_wait3A_105 = arith.constant 0 : i32
    %dma_wait3A_106 = tpu.memref_slice %arg10[%dma_wait3A_102, %dma_wait3A_104, %dma_wait3A_105] : memref<3x128x64xf32, #tpu.memory_space<vmem>> -> memref<1x128x64xf32, #tpu.memory_space<vmem>>
    %dma_wait3A_107 = tpu.memref_squeeze %dma_wait3A_106 : memref<1x128x64xf32, #tpu.memory_space<vmem>> -> memref<128x64xf32, #tpu.memory_space<vmem>>
    %dma_wait3A_108 = arith.constant 0 : i32
    %dma_wait3A_109 = arith.constant 0 : i32
    %dma_wait3A_110 = tpu.memref_slice %arg12[%dma_wait3A_108, %dma_wait3A_109] : memref<10240x64xf32, #tpu.memory_space<vmem_shared>> -> memref<128x64xf32, #tpu.memory_space<vmem_shared>>
    %dma_wait3A_111 = tpu.memref_slice %arg14[%dma_wait3A_103] : memref<3x!tpu.dma_semaphore, #tpu.memory_space<semaphore_mem>> -> memref<1x!tpu.dma_semaphore, #tpu.memory_space<semaphore_mem>>
    %dma_wait3A_112 = tpu.memref_squeeze %dma_wait3A_111 : memref<1x!tpu.dma_semaphore, #tpu.memory_space<semaphore_mem>> -> memref<!tpu.dma_semaphore, #tpu.memory_space<semaphore_mem>>
    %dma_wait3A_113 = arith.constant 0 : i32
    %dma_wait3A_114 = arith.constant 0 : i32
    %dma_wait3A_115 = tpu.memref_slice %arg12[%dma_wait3A_113, %dma_wait3A_114] : memref<10240x64xf32, #tpu.memory_space<vmem_shared>> -> memref<128x64xf32, #tpu.memory_space<vmem_shared>>
    %dma_wait3A_116 = arith.constant 0 : i32
    %dma_wait3A_117 = arith.constant 0 : i32
    %dma_wait3A_118 = tpu.memref_slice %arg10[%dma_wait3A_102, %dma_wait3A_116, %dma_wait3A_117] : memref<3x128x64xf32, #tpu.memory_space<vmem>> -> memref<1x128x64xf32, #tpu.memory_space<vmem>>
    %dma_wait3A_119 = tpu.memref_squeeze %dma_wait3A_118 : memref<1x128x64xf32, #tpu.memory_space<vmem>> -> memref<128x64xf32, #tpu.memory_space<vmem>>
    tpu.wait_dma2 semaphore(%dma_wait3A_112 : memref<!tpu.dma_semaphore, #tpu.memory_space<semaphore_mem>>) src(%dma_wait3A_119 : memref<128x64xf32, #tpu.memory_space<vmem>>) dst(%dma_wait3A_115 : memref<128x64xf32, #tpu.memory_space<vmem_shared>>)
    %dma_wait3A_120 = arith.constant 1 : i32
    %dma_wait3A_121 = arith.constant 1 : i32
    %dma_wait3A_122 = arith.constant 0 : i32
    %dma_wait3A_123 = arith.constant 0 : i32
    %dma_wait3A_124 = tpu.memref_slice %arg10[%dma_wait3A_120, %dma_wait3A_122, %dma_wait3A_123] : memref<3x128x64xf32, #tpu.memory_space<vmem>> -> memref<1x128x64xf32, #tpu.memory_space<vmem>>
    %dma_wait3A_125 = tpu.memref_squeeze %dma_wait3A_124 : memref<1x128x64xf32, #tpu.memory_space<vmem>> -> memref<128x64xf32, #tpu.memory_space<vmem>>
    %dma_wait3A_126 = arith.constant 0 : i32
    %dma_wait3A_127 = arith.constant 0 : i32
    %dma_wait3A_128 = tpu.memref_slice %arg12[%dma_wait3A_126, %dma_wait3A_127] : memref<10240x64xf32, #tpu.memory_space<vmem_shared>> -> memref<128x64xf32, #tpu.memory_space<vmem_shared>>
    %dma_wait3A_129 = tpu.memref_slice %arg14[%dma_wait3A_121] : memref<3x!tpu.dma_semaphore, #tpu.memory_space<semaphore_mem>> -> memref<1x!tpu.dma_semaphore, #tpu.memory_space<semaphore_mem>>
    %dma_wait3A_130 = tpu.memref_squeeze %dma_wait3A_129 : memref<1x!tpu.dma_semaphore, #tpu.memory_space<semaphore_mem>> -> memref<!tpu.dma_semaphore, #tpu.memory_space<semaphore_mem>>
    %dma_wait3A_131 = arith.constant 0 : i32
    %dma_wait3A_132 = arith.constant 0 : i32
    %dma_wait3A_133 = tpu.memref_slice %arg12[%dma_wait3A_131, %dma_wait3A_132] : memref<10240x64xf32, #tpu.memory_space<vmem_shared>> -> memref<128x64xf32, #tpu.memory_space<vmem_shared>>
    %dma_wait3A_134 = arith.constant 0 : i32
    %dma_wait3A_135 = arith.constant 0 : i32
    %dma_wait3A_136 = tpu.memref_slice %arg10[%dma_wait3A_120, %dma_wait3A_134, %dma_wait3A_135] : memref<3x128x64xf32, #tpu.memory_space<vmem>> -> memref<1x128x64xf32, #tpu.memory_space<vmem>>
    %dma_wait3A_137 = tpu.memref_squeeze %dma_wait3A_136 : memref<1x128x64xf32, #tpu.memory_space<vmem>> -> memref<128x64xf32, #tpu.memory_space<vmem>>
    tpu.wait_dma2 semaphore(%dma_wait3A_130 : memref<!tpu.dma_semaphore, #tpu.memory_space<semaphore_mem>>) src(%dma_wait3A_137 : memref<128x64xf32, #tpu.memory_space<vmem>>) dst(%dma_wait3A_133 : memref<128x64xf32, #tpu.memory_space<vmem_shared>>)
    %barrier3A_138 = arith.constant 0 : index
    tpu.barrier barrier_id(%barrier3A_138)
    %mul3A_139 = arith.constant 640 : i32
    %mul3A_140 = arith.muli %arg1, %mul3A_139 : i32
    %mul3A_141 = arith.constant 640 : i32
    %mul3A_142 = arith.muli %arg1, %mul3A_141 : i32
    %run_scoped3A_143 = arith.constant 1 : i32
    "tpu.region"() ({
      %run_scoped3A_144 = tpu.sem_alloc : memref<!tpu.dma_semaphore, #tpu.memory_space<semaphore_mem>>
      %dma_start3A_145 = arith.constant 0 : i32
      %dma_start3A_146 = tpu.memref_slice %arg7[%run_scoped3A_143, %arg0, %mul3A_142, %dma_start3A_145] : memref<2x2x10240x64xf32, #tpu.memory_space<hbm>> -> memref<1x1x640x64xf32, #tpu.memory_space<hbm>>
      %dma_start3A_147 = tpu.memref_squeeze %dma_start3A_146 : memref<1x1x640x64xf32, #tpu.memory_space<hbm>> -> memref<640x64xf32, #tpu.memory_space<hbm>>
      %dma_start3A_148 = arith.constant 0 : i32
      %dma_start3A_149 = tpu.memref_slice %arg12[%mul3A_140, %dma_start3A_148] : memref<10240x64xf32, #tpu.memory_space<vmem_shared>> -> memref<640x64xf32, #tpu.memory_space<vmem_shared>>
      tpu.enqueue_dma source(%dma_start3A_149 : memref<640x64xf32, #tpu.memory_space<vmem_shared>>) target(%dma_start3A_147 : memref<640x64xf32, #tpu.memory_space<hbm>>) target_semaphore(%run_scoped3A_144 : memref<!tpu.dma_semaphore, #tpu.memory_space<semaphore_mem>>)
      %dma_wait3A_150 = arith.constant 0 : i32
      %dma_wait3A_151 = tpu.memref_slice %arg7[%run_scoped3A_143, %arg0, %mul3A_142, %dma_wait3A_150] : memref<2x2x10240x64xf32, #tpu.memory_space<hbm>> -> memref<1x1x640x64xf32, #tpu.memory_space<hbm>>
      %dma_wait3A_152 = tpu.memref_squeeze %dma_wait3A_151 : memref<1x1x640x64xf32, #tpu.memory_space<hbm>> -> memref<640x64xf32, #tpu.memory_space<hbm>>
      %dma_wait3A_153 = arith.constant 0 : i32
      %dma_wait3A_154 = tpu.memref_slice %arg12[%mul3A_140, %dma_wait3A_153] : memref<10240x64xf32, #tpu.memory_space<vmem_shared>> -> memref<640x64xf32, #tpu.memory_space<vmem_shared>>
      tpu.wait_dma2 semaphore(%run_scoped3A_144 : memref<!tpu.dma_semaphore, #tpu.memory_space<semaphore_mem>>) src(%dma_wait3A_154 : memref<640x64xf32, #tpu.memory_space<vmem_shared>>) dst(%dma_wait3A_152 : memref<640x64xf32, #tpu.memory_space<hbm>>)
      tpu.yield
    }) : () -> ()
    return
  }
}

#map = affine_map<(d0, d1) -> (0, 0)>
#map1 = affine_map<(d0, d1) -> (0, 0, 0, 0)>
module attributes {stable_mosaic.version = 14 : i64} {
  func.func @_agg_body(%arg0: i32, %arg1: i32, %arg2: memref<10240x64xf32, #tpu.memory_space<hbm>>, %arg3: memref<2560x128xi32, #tpu.memory_space<hbm>>, %arg4: memref<2560x128xi32, #tpu.memory_space<hbm>>, %arg5: memref<128x64xf32, #tpu.memory_space<hbm>>, %arg6: memref<1x2x10240x64xf32, #tpu.memory_space<hbm>>, %arg7: memref<80x128xi32, #tpu.memory_space<vmem>>, %arg8: memref<80x128xi32, #tpu.memory_space<vmem>>, %arg9: memref<3x128x64xf32, #tpu.memory_space<vmem>>, %arg10: memref<10240x64xf32, #tpu.memory_space<vmem_shared>>, %arg11: memref<10240x64xf32, #tpu.memory_space<vmem_shared>>, %arg12: memref<3x!tpu.dma_semaphore, #tpu.memory_space<semaphore_mem>>, %arg13: memref<3x!tpu.dma_semaphore, #tpu.memory_space<semaphore_mem>>) attributes {dimension_semantics = [#tpu.dimension_semantics<core_parallel>, #tpu.dimension_semantics<subcore_parallel>], iteration_bounds = array<i64: 2, 16>, scalar_prefetch = 0 : i64, scratch_operands = 7 : i64, tpu.core_type = #tpu.core_type<sc_vector_subcore>, window_params = [{transform_indices = #map}, {transform_indices = #map}, {transform_indices = #map}, {transform_indices = #map}, {transform_indices = #map1}]} {
    %mul3A = arith.constant 16 : i32
    %mul3A_0 = arith.muli %arg0, %mul3A : i32
    %add3A = arith.addi %mul3A_0, %arg1 : i32
    %mul3A_1 = arith.constant 80 : i32
    %mul3A_2 = arith.muli %add3A, %mul3A_1 : i32
    "tpu.region"() ({
      %run_scoped3A_72 = tpu.sem_alloc : memref<!tpu.dma_semaphore, #tpu.memory_space<semaphore_mem>>
      %dma_start3A_73 = arith.constant 0 : i32
      %dma_start3A_74 = tpu.memref_slice %arg3[%mul3A_2, %dma_start3A_73] : memref<2560x128xi32, #tpu.memory_space<hbm>> -> memref<80x128xi32, #tpu.memory_space<hbm>>
      %dma_start3A_75 = arith.constant 0 : i32
      %dma_start3A_76 = tpu.memref_slice %arg3[%mul3A_2, %dma_start3A_75] : memref<2560x128xi32, #tpu.memory_space<hbm>> -> memref<80x128xi32, #tpu.memory_space<hbm>>
      tpu.enqueue_dma source(%dma_start3A_76 : memref<80x128xi32, #tpu.memory_space<hbm>>) target(%arg7 : memref<80x128xi32, #tpu.memory_space<vmem>>) target_semaphore(%run_scoped3A_72 : memref<!tpu.dma_semaphore, #tpu.memory_space<semaphore_mem>>)
      %dma_wait3A_77 = arith.constant 0 : i32
      %dma_wait3A_78 = tpu.memref_slice %arg3[%mul3A_2, %dma_wait3A_77] : memref<2560x128xi32, #tpu.memory_space<hbm>> -> memref<80x128xi32, #tpu.memory_space<hbm>>
      %dma_wait3A_79 = arith.constant 0 : i32
      %dma_wait3A_80 = tpu.memref_slice %arg3[%mul3A_2, %dma_wait3A_79] : memref<2560x128xi32, #tpu.memory_space<hbm>> -> memref<80x128xi32, #tpu.memory_space<hbm>>
      tpu.wait_dma2 semaphore(%run_scoped3A_72 : memref<!tpu.dma_semaphore, #tpu.memory_space<semaphore_mem>>) src(%dma_wait3A_80 : memref<80x128xi32, #tpu.memory_space<hbm>>) dst(%arg7 : memref<80x128xi32, #tpu.memory_space<vmem>>)
      tpu.yield
    }) : () -> ()
    %mul3A_3 = arith.constant 80 : i32
    %mul3A_4 = arith.muli %add3A, %mul3A_3 : i32
    "tpu.region"() ({
      %run_scoped3A_72 = tpu.sem_alloc : memref<!tpu.dma_semaphore, #tpu.memory_space<semaphore_mem>>
      %dma_start3A_73 = arith.constant 0 : i32
      %dma_start3A_74 = tpu.memref_slice %arg4[%mul3A_4, %dma_start3A_73] : memref<2560x128xi32, #tpu.memory_space<hbm>> -> memref<80x128xi32, #tpu.memory_space<hbm>>
      %dma_start3A_75 = arith.constant 0 : i32
      %dma_start3A_76 = tpu.memref_slice %arg4[%mul3A_4, %dma_start3A_75] : memref<2560x128xi32, #tpu.memory_space<hbm>> -> memref<80x128xi32, #tpu.memory_space<hbm>>
      tpu.enqueue_dma source(%dma_start3A_76 : memref<80x128xi32, #tpu.memory_space<hbm>>) target(%arg8 : memref<80x128xi32, #tpu.memory_space<vmem>>) target_semaphore(%run_scoped3A_72 : memref<!tpu.dma_semaphore, #tpu.memory_space<semaphore_mem>>)
      %dma_wait3A_77 = arith.constant 0 : i32
      %dma_wait3A_78 = tpu.memref_slice %arg4[%mul3A_4, %dma_wait3A_77] : memref<2560x128xi32, #tpu.memory_space<hbm>> -> memref<80x128xi32, #tpu.memory_space<hbm>>
      %dma_wait3A_79 = arith.constant 0 : i32
      %dma_wait3A_80 = tpu.memref_slice %arg4[%mul3A_4, %dma_wait3A_79] : memref<2560x128xi32, #tpu.memory_space<hbm>> -> memref<80x128xi32, #tpu.memory_space<hbm>>
      tpu.wait_dma2 semaphore(%run_scoped3A_72 : memref<!tpu.dma_semaphore, #tpu.memory_space<semaphore_mem>>) src(%dma_wait3A_80 : memref<80x128xi32, #tpu.memory_space<hbm>>) dst(%arg8 : memref<80x128xi32, #tpu.memory_space<vmem>>)
      tpu.yield
    }) : () -> ()
    %mul3A_5 = arith.constant 640 : i32
    %mul3A_6 = arith.muli %arg1, %mul3A_5 : i32
    %mul3A_7 = arith.constant 640 : i32
    %mul3A_8 = arith.muli %arg1, %mul3A_7 : i32
    "tpu.region"() ({
      %run_scoped3A_72 = tpu.sem_alloc : memref<!tpu.dma_semaphore, #tpu.memory_space<semaphore_mem>>
      %dma_start3A_73 = arith.constant 0 : i32
      %dma_start3A_74 = tpu.memref_slice %arg10[%mul3A_8, %dma_start3A_73] : memref<10240x64xf32, #tpu.memory_space<vmem_shared>> -> memref<640x64xf32, #tpu.memory_space<vmem_shared>>
      %dma_start3A_75 = arith.constant 0 : i32
      %dma_start3A_76 = tpu.memref_slice %arg2[%mul3A_6, %dma_start3A_75] : memref<10240x64xf32, #tpu.memory_space<hbm>> -> memref<640x64xf32, #tpu.memory_space<hbm>>
      tpu.enqueue_dma source(%dma_start3A_76 : memref<640x64xf32, #tpu.memory_space<hbm>>) target(%dma_start3A_74 : memref<640x64xf32, #tpu.memory_space<vmem_shared>>) target_semaphore(%run_scoped3A_72 : memref<!tpu.dma_semaphore, #tpu.memory_space<semaphore_mem>>)
      %dma_wait3A_77 = arith.constant 0 : i32
      %dma_wait3A_78 = tpu.memref_slice %arg10[%mul3A_8, %dma_wait3A_77] : memref<10240x64xf32, #tpu.memory_space<vmem_shared>> -> memref<640x64xf32, #tpu.memory_space<vmem_shared>>
      %dma_wait3A_79 = arith.constant 0 : i32
      %dma_wait3A_80 = tpu.memref_slice %arg2[%mul3A_6, %dma_wait3A_79] : memref<10240x64xf32, #tpu.memory_space<hbm>> -> memref<640x64xf32, #tpu.memory_space<hbm>>
      tpu.wait_dma2 semaphore(%run_scoped3A_72 : memref<!tpu.dma_semaphore, #tpu.memory_space<semaphore_mem>>) src(%dma_wait3A_80 : memref<640x64xf32, #tpu.memory_space<hbm>>) dst(%dma_wait3A_78 : memref<640x64xf32, #tpu.memory_space<vmem_shared>>)
      tpu.yield
    }) : () -> ()
    %scan3A = arith.constant 0 : i32
    %scan3A_9 = arith.constant 5 : i32
    %scan3A_10 = arith.addi %scan3A, %scan3A_9 : i32
    %scan3A_11 = arith.constant 1 : i32
    scf.for %scan3A_72 = %scan3A to %scan3A_10 step %scan3A_11  : i32 {
      %mul3A_73 = arith.constant 1 : i32
      %mul3A_74 = arith.muli %scan3A_72, %mul3A_73 : i32
      %add3A_75 = arith.constant 0 : i32
      %add3A_76 = arith.addi %add3A_75, %mul3A_74 : i32
      %mul3A_77 = arith.constant 640 : i32
      %mul3A_78 = arith.muli %arg1, %mul3A_77 : i32
      %mul3A_79 = arith.constant 128 : i32
      %mul3A_80 = arith.muli %add3A_76, %mul3A_79 : i32
      %add3A_81 = arith.addi %mul3A_78, %mul3A_80 : i32
      "tpu.region"() ({
        %run_scoped3A_82 = tpu.sem_alloc : memref<!tpu.dma_semaphore, #tpu.memory_space<semaphore_mem>>
        %dma_start3A_83 = arith.constant 0 : i32
        %dma_start3A_84 = tpu.memref_slice %arg11[%add3A_81, %dma_start3A_83] : memref<10240x64xf32, #tpu.memory_space<vmem_shared>> -> memref<128x64xf32, #tpu.memory_space<vmem_shared>>
        tpu.enqueue_dma source(%arg5 : memref<128x64xf32, #tpu.memory_space<hbm>>) target(%dma_start3A_84 : memref<128x64xf32, #tpu.memory_space<vmem_shared>>) target_semaphore(%run_scoped3A_82 : memref<!tpu.dma_semaphore, #tpu.memory_space<semaphore_mem>>)
        %dma_wait3A_85 = arith.constant 0 : i32
        %dma_wait3A_86 = tpu.memref_slice %arg11[%add3A_81, %dma_wait3A_85] : memref<10240x64xf32, #tpu.memory_space<vmem_shared>> -> memref<128x64xf32, #tpu.memory_space<vmem_shared>>
        tpu.wait_dma2 semaphore(%run_scoped3A_82 : memref<!tpu.dma_semaphore, #tpu.memory_space<semaphore_mem>>) src(%arg5 : memref<128x64xf32, #tpu.memory_space<hbm>>) dst(%dma_wait3A_86 : memref<128x64xf32, #tpu.memory_space<vmem_shared>>)
        tpu.yield
      }) : () -> ()
    }
    %scan3A_12 = arith.constant 5 : i32
    %barrier3A = arith.constant 0 : index
    tpu.barrier barrier_id(%barrier3A)
    %dma_start3A = arith.constant 0 : i32
    %dma_start3A_13 = arith.constant 0 : i32
    %dma_start3A_14 = arith.constant 0 : i32
    %dma_start3A_15 = arith.constant 0 : i32
    %dma_start3A_16 = arith.constant 0 : i32
    %dma_start3A_17 = tpu.memref_slice %arg9[%dma_start3A_13, %dma_start3A_15, %dma_start3A_16] : memref<3x128x64xf32, #tpu.memory_space<vmem>> -> memref<1x128x64xf32, #tpu.memory_space<vmem>>
    %dma_start3A_18 = tpu.memref_squeeze %dma_start3A_17 : memref<1x128x64xf32, #tpu.memory_space<vmem>> -> memref<128x64xf32, #tpu.memory_space<vmem>>
    %dma_start3A_19 = arith.constant 0 : i32
    %dma_start3A_20 = tpu.memref_slice %arg7[%dma_start3A, %dma_start3A_19] : memref<80x128xi32, #tpu.memory_space<vmem>> -> memref<1x128xi32, #tpu.memory_space<vmem>>
    %dma_start3A_21 = tpu.memref_squeeze %dma_start3A_20 : memref<1x128xi32, #tpu.memory_space<vmem>> -> memref<128xi32, #tpu.memory_space<vmem>>
    %dma_start3A_22 = arith.constant 0 : i32
    %dma_start3A_23 = arith.constant 0 : i32
    %dma_start3A_24 = tpu.memref_slice %arg10[%dma_start3A_22, %dma_start3A_23] : memref<10240x64xf32, #tpu.memory_space<vmem_shared>> -> memref<10240x64xf32, #tpu.memory_space<vmem_shared>>
    %dma_start3A_25 = tpu.memref_slice %arg12[%dma_start3A_14] : memref<3x!tpu.dma_semaphore, #tpu.memory_space<semaphore_mem>> -> memref<1x!tpu.dma_semaphore, #tpu.memory_space<semaphore_mem>>
    %dma_start3A_26 = tpu.memref_squeeze %dma_start3A_25 : memref<1x!tpu.dma_semaphore, #tpu.memory_space<semaphore_mem>> -> memref<!tpu.dma_semaphore, #tpu.memory_space<semaphore_mem>>
    tpu.enqueue_indirect_dma source(%dma_start3A_24 : memref<10240x64xf32, #tpu.memory_space<vmem_shared>>) target(%dma_start3A_18 : memref<128x64xf32, #tpu.memory_space<vmem>>) offsets(%dma_start3A_21 : memref<128xi32, #tpu.memory_space<vmem>>) semaphore(%dma_start3A_26 : memref<!tpu.dma_semaphore, #tpu.memory_space<semaphore_mem>>)
    %scan3A_27 = arith.constant 0 : i32
    %scan3A_28 = arith.constant 80 : i32
    %scan3A_29 = arith.addi %scan3A_27, %scan3A_28 : i32
    %scan3A_30 = arith.constant 1 : i32
    scf.for %scan3A_72 = %scan3A_27 to %scan3A_29 step %scan3A_30  : i32 {
      %mul3A_73 = arith.constant 1 : i32
      %mul3A_74 = arith.muli %scan3A_72, %mul3A_73 : i32
      %add3A_75 = arith.constant 0 : i32
      %add3A_76 = arith.addi %add3A_75, %mul3A_74 : i32
      %rem3A = arith.constant 3 : i32
      %rem3A_77 = arith.remsi %add3A_76, %rem3A : i32
      %add3A_78 = arith.constant 1 : i32
      %add3A_79 = arith.addi %add3A_76, %add3A_78 : i32
      %rem3A_80 = arith.constant 3 : i32
      %rem3A_81 = arith.remsi %add3A_79, %rem3A_80 : i32
      %ge3A = arith.constant 2 : i32
      %ge3A_82 = arith.cmpi sge, %add3A_76, %ge3A : i32
      %convert_element_type3A = arith.extui %ge3A_82 : i1 to i32
      %cond3A = arith.constant 0 : i32
      %cond3A_83 = arith.cmpi ne, %convert_element_type3A, %cond3A : i32
      scf.if %cond3A_83 {
        %dma_wait3A_118 = arith.constant 0 : i32
        %dma_wait3A_119 = arith.constant 0 : i32
        %dma_wait3A_120 = tpu.memref_slice %arg9[%rem3A_81, %dma_wait3A_118, %dma_wait3A_119] : memref<3x128x64xf32, #tpu.memory_space<vmem>> -> memref<1x128x64xf32, #tpu.memory_space<vmem>>
        %dma_wait3A_121 = tpu.memref_squeeze %dma_wait3A_120 : memref<1x128x64xf32, #tpu.memory_space<vmem>> -> memref<128x64xf32, #tpu.memory_space<vmem>>
        %dma_wait3A_122 = arith.constant 0 : i32
        %dma_wait3A_123 = arith.constant 0 : i32
        %dma_wait3A_124 = tpu.memref_slice %arg11[%dma_wait3A_122, %dma_wait3A_123] : memref<10240x64xf32, #tpu.memory_space<vmem_shared>> -> memref<128x64xf32, #tpu.memory_space<vmem_shared>>
        %dma_wait3A_125 = tpu.memref_slice %arg13[%rem3A_81] : memref<3x!tpu.dma_semaphore, #tpu.memory_space<semaphore_mem>> -> memref<1x!tpu.dma_semaphore, #tpu.memory_space<semaphore_mem>>
        %dma_wait3A_126 = tpu.memref_squeeze %dma_wait3A_125 : memref<1x!tpu.dma_semaphore, #tpu.memory_space<semaphore_mem>> -> memref<!tpu.dma_semaphore, #tpu.memory_space<semaphore_mem>>
        %dma_wait3A_127 = arith.constant 0 : i32
        %dma_wait3A_128 = arith.constant 0 : i32
        %dma_wait3A_129 = tpu.memref_slice %arg11[%dma_wait3A_127, %dma_wait3A_128] : memref<10240x64xf32, #tpu.memory_space<vmem_shared>> -> memref<128x64xf32, #tpu.memory_space<vmem_shared>>
        %dma_wait3A_130 = arith.constant 0 : i32
        %dma_wait3A_131 = arith.constant 0 : i32
        %dma_wait3A_132 = tpu.memref_slice %arg9[%rem3A_81, %dma_wait3A_130, %dma_wait3A_131] : memref<3x128x64xf32, #tpu.memory_space<vmem>> -> memref<1x128x64xf32, #tpu.memory_space<vmem>>
        %dma_wait3A_133 = tpu.memref_squeeze %dma_wait3A_132 : memref<1x128x64xf32, #tpu.memory_space<vmem>> -> memref<128x64xf32, #tpu.memory_space<vmem>>
        tpu.wait_dma2 semaphore(%dma_wait3A_126 : memref<!tpu.dma_semaphore, #tpu.memory_space<semaphore_mem>>) src(%dma_wait3A_133 : memref<128x64xf32, #tpu.memory_space<vmem>>) dst(%dma_wait3A_129 : memref<128x64xf32, #tpu.memory_space<vmem_shared>>)
      } else {
      }
      %add3A_84 = arith.constant 1 : i32
      %add3A_85 = arith.addi %add3A_76, %add3A_84 : i32
      %lt3A = arith.constant 80 : i32
      %lt3A_86 = arith.cmpi slt, %add3A_85, %lt3A : i32
      %convert_element_type3A_87 = arith.extui %lt3A_86 : i1 to i32
      %cond3A_88 = arith.constant 0 : i32
      %cond3A_89 = arith.cmpi ne, %convert_element_type3A_87, %cond3A_88 : i32
      scf.if %cond3A_89 {
        %add3A_118 = arith.constant 1 : i32
        %add3A_119 = arith.addi %add3A_76, %add3A_118 : i32
        %dma_start3A_120 = arith.constant 0 : i32
        %dma_start3A_121 = arith.constant 0 : i32
        %dma_start3A_122 = tpu.memref_slice %arg9[%rem3A_81, %dma_start3A_120, %dma_start3A_121] : memref<3x128x64xf32, #tpu.memory_space<vmem>> -> memref<1x128x64xf32, #tpu.memory_space<vmem>>
        %dma_start3A_123 = tpu.memref_squeeze %dma_start3A_122 : memref<1x128x64xf32, #tpu.memory_space<vmem>> -> memref<128x64xf32, #tpu.memory_space<vmem>>
        %dma_start3A_124 = arith.constant 0 : i32
        %dma_start3A_125 = tpu.memref_slice %arg7[%add3A_119, %dma_start3A_124] : memref<80x128xi32, #tpu.memory_space<vmem>> -> memref<1x128xi32, #tpu.memory_space<vmem>>
        %dma_start3A_126 = tpu.memref_squeeze %dma_start3A_125 : memref<1x128xi32, #tpu.memory_space<vmem>> -> memref<128xi32, #tpu.memory_space<vmem>>
        %dma_start3A_127 = arith.constant 0 : i32
        %dma_start3A_128 = arith.constant 0 : i32
        %dma_start3A_129 = tpu.memref_slice %arg10[%dma_start3A_127, %dma_start3A_128] : memref<10240x64xf32, #tpu.memory_space<vmem_shared>> -> memref<10240x64xf32, #tpu.memory_space<vmem_shared>>
        %dma_start3A_130 = tpu.memref_slice %arg12[%rem3A_81] : memref<3x!tpu.dma_semaphore, #tpu.memory_space<semaphore_mem>> -> memref<1x!tpu.dma_semaphore, #tpu.memory_space<semaphore_mem>>
        %dma_start3A_131 = tpu.memref_squeeze %dma_start3A_130 : memref<1x!tpu.dma_semaphore, #tpu.memory_space<semaphore_mem>> -> memref<!tpu.dma_semaphore, #tpu.memory_space<semaphore_mem>>
        tpu.enqueue_indirect_dma source(%dma_start3A_129 : memref<10240x64xf32, #tpu.memory_space<vmem_shared>>) target(%dma_start3A_123 : memref<128x64xf32, #tpu.memory_space<vmem>>) offsets(%dma_start3A_126 : memref<128xi32, #tpu.memory_space<vmem>>) semaphore(%dma_start3A_131 : memref<!tpu.dma_semaphore, #tpu.memory_space<semaphore_mem>>)
      } else {
      }
      %dma_wait3A_90 = arith.constant 0 : i32
      %dma_wait3A_91 = arith.constant 0 : i32
      %dma_wait3A_92 = tpu.memref_slice %arg9[%rem3A_77, %dma_wait3A_90, %dma_wait3A_91] : memref<3x128x64xf32, #tpu.memory_space<vmem>> -> memref<1x128x64xf32, #tpu.memory_space<vmem>>
      %dma_wait3A_93 = tpu.memref_squeeze %dma_wait3A_92 : memref<1x128x64xf32, #tpu.memory_space<vmem>> -> memref<128x64xf32, #tpu.memory_space<vmem>>
      %dma_wait3A_94 = arith.constant 0 : i32
      %dma_wait3A_95 = arith.constant 0 : i32
      %dma_wait3A_96 = tpu.memref_slice %arg10[%dma_wait3A_94, %dma_wait3A_95] : memref<10240x64xf32, #tpu.memory_space<vmem_shared>> -> memref<128x64xf32, #tpu.memory_space<vmem_shared>>
      %dma_wait3A_97 = tpu.memref_slice %arg12[%rem3A_77] : memref<3x!tpu.dma_semaphore, #tpu.memory_space<semaphore_mem>> -> memref<1x!tpu.dma_semaphore, #tpu.memory_space<semaphore_mem>>
      %dma_wait3A_98 = tpu.memref_squeeze %dma_wait3A_97 : memref<1x!tpu.dma_semaphore, #tpu.memory_space<semaphore_mem>> -> memref<!tpu.dma_semaphore, #tpu.memory_space<semaphore_mem>>
      %dma_wait3A_99 = arith.constant 0 : i32
      %dma_wait3A_100 = arith.constant 0 : i32
      %dma_wait3A_101 = tpu.memref_slice %arg9[%rem3A_77, %dma_wait3A_99, %dma_wait3A_100] : memref<3x128x64xf32, #tpu.memory_space<vmem>> -> memref<1x128x64xf32, #tpu.memory_space<vmem>>
      %dma_wait3A_102 = tpu.memref_squeeze %dma_wait3A_101 : memref<1x128x64xf32, #tpu.memory_space<vmem>> -> memref<128x64xf32, #tpu.memory_space<vmem>>
      %dma_wait3A_103 = arith.constant 0 : i32
      %dma_wait3A_104 = arith.constant 0 : i32
      %dma_wait3A_105 = tpu.memref_slice %arg10[%dma_wait3A_103, %dma_wait3A_104] : memref<10240x64xf32, #tpu.memory_space<vmem_shared>> -> memref<128x64xf32, #tpu.memory_space<vmem_shared>>
      tpu.wait_dma2 semaphore(%dma_wait3A_98 : memref<!tpu.dma_semaphore, #tpu.memory_space<semaphore_mem>>) src(%dma_wait3A_105 : memref<128x64xf32, #tpu.memory_space<vmem_shared>>) dst(%dma_wait3A_102 : memref<128x64xf32, #tpu.memory_space<vmem>>)
      %dma_start3A_106 = arith.constant 0 : i32
      %dma_start3A_107 = arith.constant 0 : i32
      %dma_start3A_108 = tpu.memref_slice %arg9[%rem3A_77, %dma_start3A_106, %dma_start3A_107] : memref<3x128x64xf32, #tpu.memory_space<vmem>> -> memref<1x128x64xf32, #tpu.memory_space<vmem>>
      %dma_start3A_109 = tpu.memref_squeeze %dma_start3A_108 : memref<1x128x64xf32, #tpu.memory_space<vmem>> -> memref<128x64xf32, #tpu.memory_space<vmem>>
      %dma_start3A_110 = arith.constant 0 : i32
      %dma_start3A_111 = tpu.memref_slice %arg8[%add3A_76, %dma_start3A_110] : memref<80x128xi32, #tpu.memory_space<vmem>> -> memref<1x128xi32, #tpu.memory_space<vmem>>
      %dma_start3A_112 = tpu.memref_squeeze %dma_start3A_111 : memref<1x128xi32, #tpu.memory_space<vmem>> -> memref<128xi32, #tpu.memory_space<vmem>>
      %dma_start3A_113 = arith.constant 0 : i32
      %dma_start3A_114 = arith.constant 0 : i32
      %dma_start3A_115 = tpu.memref_slice %arg11[%dma_start3A_113, %dma_start3A_114] : memref<10240x64xf32, #tpu.memory_space<vmem_shared>> -> memref<10240x64xf32, #tpu.memory_space<vmem_shared>>
      %dma_start3A_116 = tpu.memref_slice %arg13[%rem3A_77] : memref<3x!tpu.dma_semaphore, #tpu.memory_space<semaphore_mem>> -> memref<1x!tpu.dma_semaphore, #tpu.memory_space<semaphore_mem>>
      %dma_start3A_117 = tpu.memref_squeeze %dma_start3A_116 : memref<1x!tpu.dma_semaphore, #tpu.memory_space<semaphore_mem>> -> memref<!tpu.dma_semaphore, #tpu.memory_space<semaphore_mem>>
      tpu.enqueue_indirect_dma source(%dma_start3A_109 : memref<128x64xf32, #tpu.memory_space<vmem>>) target(%dma_start3A_115 : memref<10240x64xf32, #tpu.memory_space<vmem_shared>>) offsets(%dma_start3A_112 : memref<128xi32, #tpu.memory_space<vmem>>) semaphore(%dma_start3A_117 : memref<!tpu.dma_semaphore, #tpu.memory_space<semaphore_mem>>) {add = true}
    }
    %scan3A_31 = arith.constant 80 : i32
    %dma_wait3A = arith.constant 0 : i32
    %dma_wait3A_32 = arith.constant 0 : i32
    %dma_wait3A_33 = arith.constant 0 : i32
    %dma_wait3A_34 = arith.constant 0 : i32
    %dma_wait3A_35 = tpu.memref_slice %arg9[%dma_wait3A, %dma_wait3A_33, %dma_wait3A_34] : memref<3x128x64xf32, #tpu.memory_space<vmem>> -> memref<1x128x64xf32, #tpu.memory_space<vmem>>
    %dma_wait3A_36 = tpu.memref_squeeze %dma_wait3A_35 : memref<1x128x64xf32, #tpu.memory_space<vmem>> -> memref<128x64xf32, #tpu.memory_space<vmem>>
    %dma_wait3A_37 = arith.constant 0 : i32
    %dma_wait3A_38 = arith.constant 0 : i32
    %dma_wait3A_39 = tpu.memref_slice %arg11[%dma_wait3A_37, %dma_wait3A_38] : memref<10240x64xf32, #tpu.memory_space<vmem_shared>> -> memref<128x64xf32, #tpu.memory_space<vmem_shared>>
    %dma_wait3A_40 = tpu.memref_slice %arg13[%dma_wait3A_32] : memref<3x!tpu.dma_semaphore, #tpu.memory_space<semaphore_mem>> -> memref<1x!tpu.dma_semaphore, #tpu.memory_space<semaphore_mem>>
    %dma_wait3A_41 = tpu.memref_squeeze %dma_wait3A_40 : memref<1x!tpu.dma_semaphore, #tpu.memory_space<semaphore_mem>> -> memref<!tpu.dma_semaphore, #tpu.memory_space<semaphore_mem>>
    %dma_wait3A_42 = arith.constant 0 : i32
    %dma_wait3A_43 = arith.constant 0 : i32
    %dma_wait3A_44 = tpu.memref_slice %arg11[%dma_wait3A_42, %dma_wait3A_43] : memref<10240x64xf32, #tpu.memory_space<vmem_shared>> -> memref<128x64xf32, #tpu.memory_space<vmem_shared>>
    %dma_wait3A_45 = arith.constant 0 : i32
    %dma_wait3A_46 = arith.constant 0 : i32
    %dma_wait3A_47 = tpu.memref_slice %arg9[%dma_wait3A, %dma_wait3A_45, %dma_wait3A_46] : memref<3x128x64xf32, #tpu.memory_space<vmem>> -> memref<1x128x64xf32, #tpu.memory_space<vmem>>
    %dma_wait3A_48 = tpu.memref_squeeze %dma_wait3A_47 : memref<1x128x64xf32, #tpu.memory_space<vmem>> -> memref<128x64xf32, #tpu.memory_space<vmem>>
    tpu.wait_dma2 semaphore(%dma_wait3A_41 : memref<!tpu.dma_semaphore, #tpu.memory_space<semaphore_mem>>) src(%dma_wait3A_48 : memref<128x64xf32, #tpu.memory_space<vmem>>) dst(%dma_wait3A_44 : memref<128x64xf32, #tpu.memory_space<vmem_shared>>)
    %dma_wait3A_49 = arith.constant 1 : i32
    %dma_wait3A_50 = arith.constant 1 : i32
    %dma_wait3A_51 = arith.constant 0 : i32
    %dma_wait3A_52 = arith.constant 0 : i32
    %dma_wait3A_53 = tpu.memref_slice %arg9[%dma_wait3A_49, %dma_wait3A_51, %dma_wait3A_52] : memref<3x128x64xf32, #tpu.memory_space<vmem>> -> memref<1x128x64xf32, #tpu.memory_space<vmem>>
    %dma_wait3A_54 = tpu.memref_squeeze %dma_wait3A_53 : memref<1x128x64xf32, #tpu.memory_space<vmem>> -> memref<128x64xf32, #tpu.memory_space<vmem>>
    %dma_wait3A_55 = arith.constant 0 : i32
    %dma_wait3A_56 = arith.constant 0 : i32
    %dma_wait3A_57 = tpu.memref_slice %arg11[%dma_wait3A_55, %dma_wait3A_56] : memref<10240x64xf32, #tpu.memory_space<vmem_shared>> -> memref<128x64xf32, #tpu.memory_space<vmem_shared>>
    %dma_wait3A_58 = tpu.memref_slice %arg13[%dma_wait3A_50] : memref<3x!tpu.dma_semaphore, #tpu.memory_space<semaphore_mem>> -> memref<1x!tpu.dma_semaphore, #tpu.memory_space<semaphore_mem>>
    %dma_wait3A_59 = tpu.memref_squeeze %dma_wait3A_58 : memref<1x!tpu.dma_semaphore, #tpu.memory_space<semaphore_mem>> -> memref<!tpu.dma_semaphore, #tpu.memory_space<semaphore_mem>>
    %dma_wait3A_60 = arith.constant 0 : i32
    %dma_wait3A_61 = arith.constant 0 : i32
    %dma_wait3A_62 = tpu.memref_slice %arg11[%dma_wait3A_60, %dma_wait3A_61] : memref<10240x64xf32, #tpu.memory_space<vmem_shared>> -> memref<128x64xf32, #tpu.memory_space<vmem_shared>>
    %dma_wait3A_63 = arith.constant 0 : i32
    %dma_wait3A_64 = arith.constant 0 : i32
    %dma_wait3A_65 = tpu.memref_slice %arg9[%dma_wait3A_49, %dma_wait3A_63, %dma_wait3A_64] : memref<3x128x64xf32, #tpu.memory_space<vmem>> -> memref<1x128x64xf32, #tpu.memory_space<vmem>>
    %dma_wait3A_66 = tpu.memref_squeeze %dma_wait3A_65 : memref<1x128x64xf32, #tpu.memory_space<vmem>> -> memref<128x64xf32, #tpu.memory_space<vmem>>
    tpu.wait_dma2 semaphore(%dma_wait3A_59 : memref<!tpu.dma_semaphore, #tpu.memory_space<semaphore_mem>>) src(%dma_wait3A_66 : memref<128x64xf32, #tpu.memory_space<vmem>>) dst(%dma_wait3A_62 : memref<128x64xf32, #tpu.memory_space<vmem_shared>>)
    %barrier3A_67 = arith.constant 0 : index
    tpu.barrier barrier_id(%barrier3A_67)
    %mul3A_68 = arith.constant 640 : i32
    %mul3A_69 = arith.muli %arg1, %mul3A_68 : i32
    %mul3A_70 = arith.constant 640 : i32
    %mul3A_71 = arith.muli %arg1, %mul3A_70 : i32
    %run_scoped3A = arith.constant 0 : i32
    "tpu.region"() ({
      %run_scoped3A_72 = tpu.sem_alloc : memref<!tpu.dma_semaphore, #tpu.memory_space<semaphore_mem>>
      %dma_start3A_73 = arith.constant 0 : i32
      %dma_start3A_74 = tpu.memref_slice %arg6[%run_scoped3A, %arg0, %mul3A_71, %dma_start3A_73] : memref<1x2x10240x64xf32, #tpu.memory_space<hbm>> -> memref<1x1x640x64xf32, #tpu.memory_space<hbm>>
      %dma_start3A_75 = tpu.memref_squeeze %dma_start3A_74 : memref<1x1x640x64xf32, #tpu.memory_space<hbm>> -> memref<640x64xf32, #tpu.memory_space<hbm>>
      %dma_start3A_76 = arith.constant 0 : i32
      %dma_start3A_77 = tpu.memref_slice %arg11[%mul3A_69, %dma_start3A_76] : memref<10240x64xf32, #tpu.memory_space<vmem_shared>> -> memref<640x64xf32, #tpu.memory_space<vmem_shared>>
      tpu.enqueue_dma source(%dma_start3A_77 : memref<640x64xf32, #tpu.memory_space<vmem_shared>>) target(%dma_start3A_75 : memref<640x64xf32, #tpu.memory_space<hbm>>) target_semaphore(%run_scoped3A_72 : memref<!tpu.dma_semaphore, #tpu.memory_space<semaphore_mem>>)
      %dma_wait3A_78 = arith.constant 0 : i32
      %dma_wait3A_79 = tpu.memref_slice %arg6[%run_scoped3A, %arg0, %mul3A_71, %dma_wait3A_78] : memref<1x2x10240x64xf32, #tpu.memory_space<hbm>> -> memref<1x1x640x64xf32, #tpu.memory_space<hbm>>
      %dma_wait3A_80 = tpu.memref_squeeze %dma_wait3A_79 : memref<1x1x640x64xf32, #tpu.memory_space<hbm>> -> memref<640x64xf32, #tpu.memory_space<hbm>>
      %dma_wait3A_81 = arith.constant 0 : i32
      %dma_wait3A_82 = tpu.memref_slice %arg11[%mul3A_69, %dma_wait3A_81] : memref<10240x64xf32, #tpu.memory_space<vmem_shared>> -> memref<640x64xf32, #tpu.memory_space<vmem_shared>>
      tpu.wait_dma2 semaphore(%run_scoped3A_72 : memref<!tpu.dma_semaphore, #tpu.memory_space<semaphore_mem>>) src(%dma_wait3A_82 : memref<640x64xf32, #tpu.memory_space<vmem_shared>>) dst(%dma_wait3A_80 : memref<640x64xf32, #tpu.memory_space<hbm>>)
      tpu.yield
    }) : () -> ()
    return
  }
}

module attributes {stable_mosaic.version = 14 : i64} {
  func.func @_mm_in_body(%arg0: i32, %arg1: memref<1024x128xf32, #tpu.memory_space<vmem>>, %arg2: memref<128x64xf32, #tpu.memory_space<vmem>>, %arg3: memref<128x64xf32, #tpu.memory_space<vmem>>, %arg4: memref<1024x16xf32, #tpu.memory_space<vmem>>, %arg5: memref<1024x16xf32, #tpu.memory_space<vmem>>, %arg6: memref<1024x64xf32, #tpu.memory_space<vmem>>, %arg7: memref<1024x64xf32, #tpu.memory_space<vmem>>) attributes {dimension_semantics = [#tpu.dimension_semantics<arbitrary>], iteration_bounds = array<i64: 10>, scalar_prefetch = 0 : i64, scratch_operands = 0 : i64, tpu.core_type = #tpu.core_type<tc>, window_params = [{transform_indices = @transform_0, window_bounds = array<i64: 1024, 128>}, {pipeline_mode = #tpu.pipeline_mode<synchronous>, transform_indices = @transform_1, window_bounds = array<i64: 128, 64>}, {pipeline_mode = #tpu.pipeline_mode<synchronous>, transform_indices = @transform_2, window_bounds = array<i64: 128, 64>}, {transform_indices = @transform_3, window_bounds = array<i64: 1024, 16>}, {transform_indices = @transform_4, window_bounds = array<i64: 1024, 16>}, {transform_indices = @transform_5, window_bounds = array<i64: 1024, 64>}, {transform_indices = @transform_6, window_bounds = array<i64: 1024, 64>}]} {
    %get3A = arith.constant 0 : index
    %get3A_0 = arith.constant 0 : index
    %get3A_1 = vector.load %arg4[%get3A, %get3A_0] : memref<1024x16xf32, #tpu.memory_space<vmem>>, vector<1024x1xf32>
    %get3A_2 = arith.constant 0 : index
    %get3A_3 = arith.constant 0 : index
    %get3A_4 = vector.load %arg5[%get3A_2, %get3A_3] : memref<1024x16xf32, #tpu.memory_space<vmem>>, vector<1024x1xf32>
    %add3A = arith.addf %get3A_1, %get3A_4 : vector<1024x1xf32>
    %add3A_5 = arith.constant 1.000000e+00 : f32
    %add3A_6 = vector.broadcast %add3A_5 : f32 to vector<1024x1xf32>
    %add3A_7 = arith.addf %add3A, %add3A_6 : vector<1024x1xf32>
    %rsqrt3A = math.rsqrt %add3A_7 : vector<1024x1xf32>
    %get3A_8 = arith.constant 0 : index
    %get3A_9 = arith.constant 0 : index
    %get3A_10 = vector.load %arg1[%get3A_8, %get3A_9] : memref<1024x128xf32, #tpu.memory_space<vmem>>, vector<1024x128xf32>
    %get3A_11 = arith.constant 0 : index
    %get3A_12 = arith.constant 0 : index
    %get3A_13 = vector.load %arg2[%get3A_11, %get3A_12] : memref<128x64xf32, #tpu.memory_space<vmem>>, vector<128x64xf32>
    %dot_general3A = arith.constant dense<0.000000e+00> : vector<1024x64xf32>
    %dot_general3A_14 = tpu.matmul %get3A_10, %get3A_13, %dot_general3A {dimension_numbers = #tpu.dot_dimension_numbers<[1], [0], [0], [1], [0, 0, 1, 1], [], []>, transpose_lhs_hint = false} : vector<1024x128xf32>, vector<128x64xf32>, vector<1024x64xf32> -> vector<1024x64xf32>
    %mul3A = vector.broadcast %rsqrt3A : vector<1024x1xf32> to vector<1024x64xf32>
    %mul3A_15 = arith.mulf %dot_general3A_14, %mul3A : vector<1024x64xf32>
    %swap3A = arith.constant 0 : index
    %swap3A_16 = arith.constant 0 : index
    %swap3A_17 = vector.load %arg6[%swap3A, %swap3A_16] : memref<1024x64xf32, #tpu.memory_space<vmem>>, vector<1024x64xf32>
    tpu.vector_store %arg6[%swap3A, %swap3A_16], %mul3A_15 {strides = array<i32>} : memref<1024x64xf32, #tpu.memory_space<vmem>>, vector<1024x64xf32>,
    %get3A_18 = arith.constant 0 : index
    %get3A_19 = arith.constant 0 : index
    %get3A_20 = vector.load %arg1[%get3A_18, %get3A_19] : memref<1024x128xf32, #tpu.memory_space<vmem>>, vector<1024x128xf32>
    %get3A_21 = arith.constant 0 : index
    %get3A_22 = arith.constant 0 : index
    %get3A_23 = vector.load %arg3[%get3A_21, %get3A_22] : memref<128x64xf32, #tpu.memory_space<vmem>>, vector<128x64xf32>
    %dot_general3A_24 = arith.constant dense<0.000000e+00> : vector<1024x64xf32>
    %dot_general3A_25 = tpu.matmul %get3A_20, %get3A_23, %dot_general3A_24 {dimension_numbers = #tpu.dot_dimension_numbers<[1], [0], [0], [1], [0, 0, 1, 1], [], []>, transpose_lhs_hint = false} : vector<1024x128xf32>, vector<128x64xf32>, vector<1024x64xf32> -> vector<1024x64xf32>
    %mul3A_26 = vector.broadcast %rsqrt3A : vector<1024x1xf32> to vector<1024x64xf32>
    %mul3A_27 = arith.mulf %dot_general3A_25, %mul3A_26 : vector<1024x64xf32>
    %swap3A_28 = arith.constant 0 : index
    %swap3A_29 = arith.constant 0 : index
    %swap3A_30 = vector.load %arg7[%swap3A_28, %swap3A_29] : memref<1024x64xf32, #tpu.memory_space<vmem>>, vector<1024x64xf32>
    tpu.vector_store %arg7[%swap3A_28, %swap3A_29], %mul3A_27 {strides = array<i32>} : memref<1024x64xf32, #tpu.memory_space<vmem>>, vector<1024x64xf32>,
    return
  }
  func.func @transform_0(%arg0: i32) -> (i32, i32) {
    %c0_i32 = arith.constant 0 : i32
    %c0_i32_0 = arith.constant 0 : i32
    return %arg0, %c0_i32 : i32, i32
  }
  func.func @transform_1(%arg0: i32) -> (i32, i32) {
    %c0_i32 = arith.constant 0 : i32
    %c0_i32_0 = arith.constant 0 : i32
    %c0_i32_1 = arith.constant 0 : i32
    return %c0_i32, %c0_i32_0 : i32, i32
  }
  func.func @transform_2(%arg0: i32) -> (i32, i32) {
    %c0_i32 = arith.constant 0 : i32
    %c0_i32_0 = arith.constant 0 : i32
    %c0_i32_1 = arith.constant 0 : i32
    return %c0_i32, %c0_i32_0 : i32, i32
  }
  func.func @transform_3(%arg0: i32) -> (i32, i32) {
    %c0_i32 = arith.constant 0 : i32
    %c0_i32_0 = arith.constant 0 : i32
    return %arg0, %c0_i32 : i32, i32
  }
  func.func @transform_4(%arg0: i32) -> (i32, i32) {
    %c0_i32 = arith.constant 0 : i32
    %c0_i32_0 = arith.constant 0 : i32
    return %arg0, %c0_i32 : i32, i32
  }
  func.func @transform_5(%arg0: i32) -> (i32, i32) {
    %c0_i32 = arith.constant 0 : i32
    %c0_i32_0 = arith.constant 0 : i32
    return %arg0, %c0_i32 : i32, i32
  }
  func.func @transform_6(%arg0: i32) -> (i32, i32) {
    %c0_i32 = arith.constant 0 : i32
    %c0_i32_0 = arith.constant 0 : i32
    return %arg0, %c0_i32 : i32, i32
  }
}

module attributes {stable_mosaic.version = 14 : i64} {
  func.func @_mid_body(%arg0: i32, %arg1: memref<1024x64xf32, #tpu.memory_space<vmem>>, %arg2: memref<1024x64xf32, #tpu.memory_space<vmem>>, %arg3: memref<1024x64xf32, #tpu.memory_space<vmem>>, %arg4: memref<1024x64xf32, #tpu.memory_space<vmem>>, %arg5: memref<1024x64xf32, #tpu.memory_space<vmem>>, %arg6: memref<1024x64xf32, #tpu.memory_space<vmem>>, %arg7: memref<1024x16xf32, #tpu.memory_space<vmem>>, %arg8: memref<1024x16xf32, #tpu.memory_space<vmem>>, %arg9: memref<1x64xf32, #tpu.memory_space<vmem>>, %arg10: memref<1x64xf32, #tpu.memory_space<vmem>>, %arg11: memref<64x64xf32, #tpu.memory_space<vmem>>, %arg12: memref<64x64xf32, #tpu.memory_space<vmem>>, %arg13: memref<1024x64xf32, #tpu.memory_space<vmem>>) attributes {dimension_semantics = [#tpu.dimension_semantics<arbitrary>], iteration_bounds = array<i64: 10>, scalar_prefetch = 0 : i64, scratch_operands = 0 : i64, tpu.core_type = #tpu.core_type<tc>, window_params = [{transform_indices = @transform_0, window_bounds = array<i64: 1024, 64>}, {transform_indices = @transform_1, window_bounds = array<i64: 1024, 64>}, {transform_indices = @transform_2, window_bounds = array<i64: 1024, 64>}, {transform_indices = @transform_3, window_bounds = array<i64: 1024, 64>}, {transform_indices = @transform_4, window_bounds = array<i64: 1024, 64>}, {transform_indices = @transform_5, window_bounds = array<i64: 1024, 64>}, {transform_indices = @transform_6, window_bounds = array<i64: 1024, 16>}, {transform_indices = @transform_7, window_bounds = array<i64: 1024, 16>}, {pipeline_mode = #tpu.pipeline_mode<synchronous>, transform_indices = @transform_8, window_bounds = array<i64: 1, 64>}, {pipeline_mode = #tpu.pipeline_mode<synchronous>, transform_indices = @transform_9, window_bounds = array<i64: 1, 64>}, {pipeline_mode = #tpu.pipeline_mode<synchronous>, transform_indices = @transform_10, window_bounds = array<i64: 64, 64>}, {pipeline_mode = #tpu.pipeline_mode<synchronous>, transform_indices = @transform_11, window_bounds = array<i64: 64, 64>}, {transform_indices = @transform_12, window_bounds = array<i64: 1024, 64>}]} {
    %get3A = arith.constant 0 : index
    %get3A_0 = arith.constant 0 : index
    %get3A_1 = vector.load %arg7[%get3A, %get3A_0] : memref<1024x16xf32, #tpu.memory_space<vmem>>, vector<1024x1xf32>
    %get3A_2 = arith.constant 0 : index
    %get3A_3 = arith.constant 0 : index
    %get3A_4 = vector.load %arg8[%get3A_2, %get3A_3] : memref<1024x16xf32, #tpu.memory_space<vmem>>, vector<1024x1xf32>
    %add3A = arith.addf %get3A_1, %get3A_4 : vector<1024x1xf32>
    %add3A_5 = arith.constant 1.000000e+00 : f32
    %add3A_6 = vector.broadcast %add3A_5 : f32 to vector<1024x1xf32>
    %add3A_7 = arith.addf %add3A, %add3A_6 : vector<1024x1xf32>
    %rsqrt3A = math.rsqrt %add3A_7 : vector<1024x1xf32>
    %get3A_8 = arith.constant 0 : index
    %get3A_9 = arith.constant 0 : index
    %get3A_10 = vector.load %arg1[%get3A_8, %get3A_9] : memref<1024x64xf32, #tpu.memory_space<vmem>>, vector<1024x64xf32>
    %get3A_11 = arith.constant 0 : index
    %get3A_12 = arith.constant 0 : index
    %get3A_13 = vector.load %arg2[%get3A_11, %get3A_12] : memref<1024x64xf32, #tpu.memory_space<vmem>>, vector<1024x64xf32>
    %add3A_14 = arith.addf %get3A_10, %get3A_13 : vector<1024x64xf32>
    %get3A_15 = arith.constant 0 : index
    %get3A_16 = arith.constant 0 : index
    %get3A_17 = vector.load %arg3[%get3A_15, %get3A_16] : memref<1024x64xf32, #tpu.memory_space<vmem>>, vector<1024x64xf32>
    %add3A_18 = arith.addf %add3A_14, %get3A_17 : vector<1024x64xf32>
    %mul3A = vector.broadcast %rsqrt3A : vector<1024x1xf32> to vector<1024x64xf32>
    %mul3A_19 = arith.mulf %mul3A, %add3A_18 : vector<1024x64xf32>
    %get3A_20 = arith.constant 0 : index
    %get3A_21 = arith.constant 0 : index
    %get3A_22 = vector.load %arg9[%get3A_20, %get3A_21] : memref<1x64xf32, #tpu.memory_space<vmem>>, vector<1x64xf32>
    %add3A_23 = vector.broadcast %get3A_22 : vector<1x64xf32> to vector<1024x64xf32>
    %add3A_24 = arith.addf %mul3A_19, %add3A_23 : vector<1024x64xf32>
    %max3A = arith.constant 0.000000e+00 : f32
    %max3A_25 = vector.broadcast %max3A : f32 to vector<1024x64xf32>
    %max3A_26 = arith.maximumf %add3A_24, %max3A_25 : vector<1024x64xf32>
    %get3A_27 = arith.constant 0 : index
    %get3A_28 = arith.constant 0 : index
    %get3A_29 = vector.load %arg4[%get3A_27, %get3A_28] : memref<1024x64xf32, #tpu.memory_space<vmem>>, vector<1024x64xf32>
    %get3A_30 = arith.constant 0 : index
    %get3A_31 = arith.constant 0 : index
    %get3A_32 = vector.load %arg5[%get3A_30, %get3A_31] : memref<1024x64xf32, #tpu.memory_space<vmem>>, vector<1024x64xf32>
    %add3A_33 = arith.addf %get3A_29, %get3A_32 : vector<1024x64xf32>
    %get3A_34 = arith.constant 0 : index
    %get3A_35 = arith.constant 0 : index
    %get3A_36 = vector.load %arg6[%get3A_34, %get3A_35] : memref<1024x64xf32, #tpu.memory_space<vmem>>, vector<1024x64xf32>
    %add3A_37 = arith.addf %add3A_33, %get3A_36 : vector<1024x64xf32>
    %mul3A_38 = vector.broadcast %rsqrt3A : vector<1024x1xf32> to vector<1024x64xf32>
    %mul3A_39 = arith.mulf %mul3A_38, %add3A_37 : vector<1024x64xf32>
    %get3A_40 = arith.constant 0 : index
    %get3A_41 = arith.constant 0 : index
    %get3A_42 = vector.load %arg10[%get3A_40, %get3A_41] : memref<1x64xf32, #tpu.memory_space<vmem>>, vector<1x64xf32>
    %add3A_43 = vector.broadcast %get3A_42 : vector<1x64xf32> to vector<1024x64xf32>
    %add3A_44 = arith.addf %mul3A_39, %add3A_43 : vector<1024x64xf32>
    %max3A_45 = arith.constant 0.000000e+00 : f32
    %max3A_46 = vector.broadcast %max3A_45 : f32 to vector<1024x64xf32>
    %max3A_47 = arith.maximumf %add3A_44, %max3A_46 : vector<1024x64xf32>
    %get3A_48 = arith.constant 0 : index
    %get3A_49 = arith.constant 0 : index
    %get3A_50 = vector.load %arg11[%get3A_48, %get3A_49] : memref<64x64xf32, #tpu.memory_space<vmem>>, vector<64x64xf32>
    %dot_general3A = arith.constant dense<0.000000e+00> : vector<1024x64xf32>
    %dot_general3A_51 = tpu.matmul %max3A_26, %get3A_50, %dot_general3A {dimension_numbers = #tpu.dot_dimension_numbers<[1], [0], [0], [1], [0, 0, 1, 1], [], []>, transpose_lhs_hint = false} : vector<1024x64xf32>, vector<64x64xf32>, vector<1024x64xf32> -> vector<1024x64xf32>
    %get3A_52 = arith.constant 0 : index
    %get3A_53 = arith.constant 0 : index
    %get3A_54 = vector.load %arg12[%get3A_52, %get3A_53] : memref<64x64xf32, #tpu.memory_space<vmem>>, vector<64x64xf32>
    %dot_general3A_55 = arith.constant dense<0.000000e+00> : vector<1024x64xf32>
    %dot_general3A_56 = tpu.matmul %max3A_47, %get3A_54, %dot_general3A_55 {dimension_numbers = #tpu.dot_dimension_numbers<[1], [0], [0], [1], [0, 0, 1, 1], [], []>, transpose_lhs_hint = false} : vector<1024x64xf32>, vector<64x64xf32>, vector<1024x64xf32> -> vector<1024x64xf32>
    %add3A_57 = arith.addf %dot_general3A_51, %dot_general3A_56 : vector<1024x64xf32>
    %mul3A_58 = vector.broadcast %rsqrt3A : vector<1024x1xf32> to vector<1024x64xf32>
    %mul3A_59 = arith.mulf %add3A_57, %mul3A_58 : vector<1024x64xf32>
    %swap3A = arith.constant 0 : index
    %swap3A_60 = arith.constant 0 : index
    %swap3A_61 = vector.load %arg13[%swap3A, %swap3A_60] : memref<1024x64xf32, #tpu.memory_space<vmem>>, vector<1024x64xf32>
    tpu.vector_store %arg13[%swap3A, %swap3A_60], %mul3A_59 {strides = array<i32>} : memref<1024x64xf32, #tpu.memory_space<vmem>>, vector<1024x64xf32>,
    return
  }
  func.func @transform_0(%arg0: i32) -> (i32, i32) {
    %c0_i32 = arith.constant 0 : i32
    %c0_i32_0 = arith.constant 0 : i32
    return %arg0, %c0_i32 : i32, i32
  }
  func.func @transform_1(%arg0: i32) -> (i32, i32) {
    %c0_i32 = arith.constant 0 : i32
    %c0_i32_0 = arith.constant 0 : i32
    return %arg0, %c0_i32 : i32, i32
  }
  func.func @transform_2(%arg0: i32) -> (i32, i32) {
    %c0_i32 = arith.constant 0 : i32
    %c0_i32_0 = arith.constant 0 : i32
    return %arg0, %c0_i32 : i32, i32
  }
  func.func @transform_3(%arg0: i32) -> (i32, i32) {
    %c0_i32 = arith.constant 0 : i32
    %c0_i32_0 = arith.constant 0 : i32
    return %arg0, %c0_i32 : i32, i32
  }
  func.func @transform_4(%arg0: i32) -> (i32, i32) {
    %c0_i32 = arith.constant 0 : i32
    %c0_i32_0 = arith.constant 0 : i32
    return %arg0, %c0_i32 : i32, i32
  }
  func.func @transform_5(%arg0: i32) -> (i32, i32) {
    %c0_i32 = arith.constant 0 : i32
    %c0_i32_0 = arith.constant 0 : i32
    return %arg0, %c0_i32 : i32, i32
  }
  func.func @transform_6(%arg0: i32) -> (i32, i32) {
    %c0_i32 = arith.constant 0 : i32
    %c0_i32_0 = arith.constant 0 : i32
    return %arg0, %c0_i32 : i32, i32
  }
  func.func @transform_7(%arg0: i32) -> (i32, i32) {
    %c0_i32 = arith.constant 0 : i32
    %c0_i32_0 = arith.constant 0 : i32
    return %arg0, %c0_i32 : i32, i32
  }
  func.func @transform_8(%arg0: i32) -> (i32, i32) {
    %c0_i32 = arith.constant 0 : i32
    %c0_i32_0 = arith.constant 0 : i32
    %c0_i32_1 = arith.constant 0 : i32
    return %c0_i32, %c0_i32_0 : i32, i32
  }
  func.func @transform_9(%arg0: i32) -> (i32, i32) {
    %c0_i32 = arith.constant 0 : i32
    %c0_i32_0 = arith.constant 0 : i32
    %c0_i32_1 = arith.constant 0 : i32
    return %c0_i32, %c0_i32_0 : i32, i32
  }
  func.func @transform_10(%arg0: i32) -> (i32, i32) {
    %c0_i32 = arith.constant 0 : i32
    %c0_i32_0 = arith.constant 0 : i32
    %c0_i32_1 = arith.constant 0 : i32
    return %c0_i32, %c0_i32_0 : i32, i32
  }
  func.func @transform_11(%arg0: i32) -> (i32, i32) {
    %c0_i32 = arith.constant 0 : i32
    %c0_i32_0 = arith.constant 0 : i32
    %c0_i32_1 = arith.constant 0 : i32
    return %c0_i32, %c0_i32_0 : i32, i32
  }
  func.func @transform_12(%arg0: i32) -> (i32, i32) {
    %c0_i32 = arith.constant 0 : i32
    %c0_i32_0 = arith.constant 0 : i32
    return %arg0, %c0_i32 : i32, i32
  }
}

module attributes {stable_mosaic.version = 14 : i64} {
  func.func @_out_body(%arg0: i32, %arg1: memref<1024x64xf32, #tpu.memory_space<vmem>>, %arg2: memref<1024x64xf32, #tpu.memory_space<vmem>>, %arg3: memref<1024x64xf32, #tpu.memory_space<vmem>>, %arg4: memref<1024x16xf32, #tpu.memory_space<vmem>>, %arg5: memref<1024x16xf32, #tpu.memory_space<vmem>>, %arg6: memref<1x64xf32, #tpu.memory_space<vmem>>, %arg7: memref<64x32xf32, #tpu.memory_space<vmem>>, %arg8: memref<1x32xf32, #tpu.memory_space<vmem>>, %arg9: memref<1024x32xf32, #tpu.memory_space<vmem>>) attributes {dimension_semantics = [#tpu.dimension_semantics<arbitrary>], iteration_bounds = array<i64: 10>, scalar_prefetch = 0 : i64, scratch_operands = 0 : i64, tpu.core_type = #tpu.core_type<tc>, window_params = [{transform_indices = @transform_0, window_bounds = array<i64: 1024, 64>}, {transform_indices = @transform_1, window_bounds = array<i64: 1024, 64>}, {transform_indices = @transform_2, window_bounds = array<i64: 1024, 64>}, {transform_indices = @transform_3, window_bounds = array<i64: 1024, 16>}, {transform_indices = @transform_4, window_bounds = array<i64: 1024, 16>}, {pipeline_mode = #tpu.pipeline_mode<synchronous>, transform_indices = @transform_5, window_bounds = array<i64: 1, 64>}, {pipeline_mode = #tpu.pipeline_mode<synchronous>, transform_indices = @transform_6, window_bounds = array<i64: 64, 32>}, {pipeline_mode = #tpu.pipeline_mode<synchronous>, transform_indices = @transform_7, window_bounds = array<i64: 1, 32>}, {transform_indices = @transform_8, window_bounds = array<i64: 1024, 32>}]} {
    %get3A = arith.constant 0 : index
    %get3A_0 = arith.constant 0 : index
    %get3A_1 = vector.load %arg4[%get3A, %get3A_0] : memref<1024x16xf32, #tpu.memory_space<vmem>>, vector<1024x1xf32>
    %get3A_2 = arith.constant 0 : index
    %get3A_3 = arith.constant 0 : index
    %get3A_4 = vector.load %arg5[%get3A_2, %get3A_3] : memref<1024x16xf32, #tpu.memory_space<vmem>>, vector<1024x1xf32>
    %add3A = arith.addf %get3A_1, %get3A_4 : vector<1024x1xf32>
    %add3A_5 = arith.constant 1.000000e+00 : f32
    %add3A_6 = vector.broadcast %add3A_5 : f32 to vector<1024x1xf32>
    %add3A_7 = arith.addf %add3A, %add3A_6 : vector<1024x1xf32>
    %rsqrt3A = math.rsqrt %add3A_7 : vector<1024x1xf32>
    %get3A_8 = arith.constant 0 : index
    %get3A_9 = arith.constant 0 : index
    %get3A_10 = vector.load %arg1[%get3A_8, %get3A_9] : memref<1024x64xf32, #tpu.memory_space<vmem>>, vector<1024x64xf32>
    %get3A_11 = arith.constant 0 : index
    %get3A_12 = arith.constant 0 : index
    %get3A_13 = vector.load %arg2[%get3A_11, %get3A_12] : memref<1024x64xf32, #tpu.memory_space<vmem>>, vector<1024x64xf32>
    %add3A_14 = arith.addf %get3A_10, %get3A_13 : vector<1024x64xf32>
    %get3A_15 = arith.constant 0 : index
    %get3A_16 = arith.constant 0 : index
    %get3A_17 = vector.load %arg3[%get3A_15, %get3A_16] : memref<1024x64xf32, #tpu.memory_space<vmem>>, vector<1024x64xf32>
    %add3A_18 = arith.addf %add3A_14, %get3A_17 : vector<1024x64xf32>
    %mul3A = vector.broadcast %rsqrt3A : vector<1024x1xf32> to vector<1024x64xf32>
    %mul3A_19 = arith.mulf %mul3A, %add3A_18 : vector<1024x64xf32>
    %get3A_20 = arith.constant 0 : index
    %get3A_21 = arith.constant 0 : index
    %get3A_22 = vector.load %arg6[%get3A_20, %get3A_21] : memref<1x64xf32, #tpu.memory_space<vmem>>, vector<1x64xf32>
    %add3A_23 = vector.broadcast %get3A_22 : vector<1x64xf32> to vector<1024x64xf32>
    %add3A_24 = arith.addf %mul3A_19, %add3A_23 : vector<1024x64xf32>
    %max3A = arith.constant 0.000000e+00 : f32
    %max3A_25 = vector.broadcast %max3A : f32 to vector<1024x64xf32>
    %max3A_26 = arith.maximumf %add3A_24, %max3A_25 : vector<1024x64xf32>
    %get3A_27 = arith.constant 0 : index
    %get3A_28 = arith.constant 0 : index
    %get3A_29 = vector.load %arg7[%get3A_27, %get3A_28] : memref<64x32xf32, #tpu.memory_space<vmem>>, vector<64x32xf32>
    %dot_general3A = arith.constant dense<0.000000e+00> : vector<1024x32xf32>
    %dot_general3A_30 = tpu.matmul %max3A_26, %get3A_29, %dot_general3A {dimension_numbers = #tpu.dot_dimension_numbers<[1], [0], [0], [1], [0, 0, 1, 1], [], []>, transpose_lhs_hint = false} : vector<1024x64xf32>, vector<64x32xf32>, vector<1024x32xf32> -> vector<1024x32xf32>
    %get3A_31 = arith.constant 0 : index
    %get3A_32 = arith.constant 0 : index
    %get3A_33 = vector.load %arg8[%get3A_31, %get3A_32] : memref<1x32xf32, #tpu.memory_space<vmem>>, vector<1x32xf32>
    %add3A_34 = vector.broadcast %get3A_33 : vector<1x32xf32> to vector<1024x32xf32>
    %add3A_35 = arith.addf %dot_general3A_30, %add3A_34 : vector<1024x32xf32>
    %swap3A = arith.constant 0 : index
    %swap3A_36 = arith.constant 0 : index
    %swap3A_37 = vector.load %arg9[%swap3A, %swap3A_36] : memref<1024x32xf32, #tpu.memory_space<vmem>>, vector<1024x32xf32>
    tpu.vector_store %arg9[%swap3A, %swap3A_36], %add3A_35 {strides = array<i32>} : memref<1024x32xf32, #tpu.memory_space<vmem>>, vector<1024x32xf32>,
    return
  }
  func.func @transform_0(%arg0: i32) -> (i32, i32) {
    %c0_i32 = arith.constant 0 : i32
    %c0_i32_0 = arith.constant 0 : i32
    return %arg0, %c0_i32 : i32, i32
  }
  func.func @transform_1(%arg0: i32) -> (i32, i32) {
    %c0_i32 = arith.constant 0 : i32
    %c0_i32_0 = arith.constant 0 : i32
    return %arg0, %c0_i32 : i32, i32
  }
  func.func @transform_2(%arg0: i32) -> (i32, i32) {
    %c0_i32 = arith.constant 0 : i32
    %c0_i32_0 = arith.constant 0 : i32
    return %arg0, %c0_i32 : i32, i32
  }
  func.func @transform_3(%arg0: i32) -> (i32, i32) {
    %c0_i32 = arith.constant 0 : i32
    %c0_i32_0 = arith.constant 0 : i32
    return %arg0, %c0_i32 : i32, i32
  }
  func.func @transform_4(%arg0: i32) -> (i32, i32) {
    %c0_i32 = arith.constant 0 : i32
    %c0_i32_0 = arith.constant 0 : i32
    return %arg0, %c0_i32 : i32, i32
  }
  func.func @transform_5(%arg0: i32) -> (i32, i32) {
    %c0_i32 = arith.constant 0 : i32
    %c0_i32_0 = arith.constant 0 : i32
    %c0_i32_1 = arith.constant 0 : i32
    return %c0_i32, %c0_i32_0 : i32, i32
  }
  func.func @transform_6(%arg0: i32) -> (i32, i32) {
    %c0_i32 = arith.constant 0 : i32
    %c0_i32_0 = arith.constant 0 : i32
    %c0_i32_1 = arith.constant 0 : i32
    return %c0_i32, %c0_i32_0 : i32, i32
  }
  func.func @transform_7(%arg0: i32) -> (i32, i32) {
    %c0_i32 = arith.constant 0 : i32
    %c0_i32_0 = arith.constant 0 : i32
    %c0_i32_1 = arith.constant 0 : i32
    return %c0_i32, %c0_i32_0 : i32, i32
  }
  func.func @transform_8(%arg0: i32) -> (i32, i32) {
    %c0_i32 = arith.constant 0 : i32
    %c0_i32_0 = arith.constant 0 : i32
    return %arg0, %c0_i32 : i32, i32
  }
}

</mosaic_0001>

<sc_bundles>
// kernel: kernel.11.cloned.1.call-start
scs
__scs_entry_jumppad:
0x0: {  	(pc) =	sbr.rel $0x88, $3  }
0x1: {  	(tag) =	ssettag $0x0;
	lr =	simm.s32 $0x1  }
0x2: {  	[smem:$0x3F99] =	sst lr;
	_ =	strace $0xD0000000  }
0x3: {  	_ = 	snop  }
0x4: {  	_ = 	snop  }
0x5: {  	_ = 	snop  }
0x6: {  	_ = 	snop  }
0x7: {  	_ = 	snop  }
__scs_overlays_trampoline_lowered:
0x8: {  	[smem:$0x3FA8] =	sst s0  }
0x9: {  	[smem:$0x3FA9] =	sst s1  }
0xa: {  	[smem:$0x3FAA] =	sst s2  }
0xb: {  	[smem:$0x3FAB] =	sst s3  }
0xc: {  	[smem:$0x3FAC] =	sst s4  }
0xd: {  	[smem:$0x3FAD] =	sst s5  }
0xe: {  	[smem:$0x3FAE] =	sst s6  }
0xf: {  	[smem:$0x3FAF] =	sst s7  }
0x10: {  	[smem:$0x3FB0] =	sst s8  }
0x11: {  	[smem:$0x3FB1] =	sst s9;
	s0 =	simm.s32 @!p0 $0x0  }
0x12: {  	s1 =	sld [smem:$0x3F97];
	s0 =	simm.s32 @p0 $0x1  }
0x13: {  	[smem:$0x3FB2] =	sst s0;
	s0 =	simm.s32 @!p1 $0x0  }
0x14: {  	s2 =	sld [smem:$0x3F96];
	s0 =	simm.s32 @p1 $0x1  }
0x15: {  	[smem:$0x3FB3] =	sst s0;
	s0 =	simm.s32 @!p2 $0x0  }
0x16: {  	s3 =	sld [smem:$0x3FDB];
	s0 =	simm.s32 @p2 $0x1  }
0x17: {  	s4 =	simm.s32 $0x1BF5;
	[smem:$0x3FB5] =	sst s0  }
0x18: {  	s0 =	sld [smem:$0x3F98];
	_ =	swait.ge [sflag:s4], $0x0  }
0x19: {  	s7 =	sld [smem:$0x3F99]  }
0x1a: {  	s8 =	sadd.s32 $0xFFFFE003, lr  }
0x1b: {  	s9 =	sadd.s32 $0xFFFFFEF7, lr;
	s5 =	simm.s32 $0xFFFFFFFF;
	p2 =	slt.u32 s8, $0xFFFFF086  }
0x1c: {  	p1 =	slt.u32 s9, $0xF7A;
	s5 =	simm.s32 @!p2 $0x0  }
0x1d: {  	s5 =	simm.s32 @p1 $0x1;
	p0 =	seq.s32 s7, s2  }
0x1e: {  	s7 =	smul.u32 @!p0 $0xF7A, s2;
	p2 =	seq.s32 @!p0 s5, $0x0  }
0x1f: {  	s9 =	smul.u32 $0xF7A, s1;
	s8 =	simm.s32 @!p0 $0x1BF5;
	p2 =	por !p2, p0  }
0x20: {  	[sflag:s8] =	ssyncset.s32 @!p0 $0xFFFFF086;
	s6 =	sadd.s32 @!p0 s3, s7;
	s7 =	simm.s32 @!p0 $0x108  }
0x21: {  	s3 =	sadd.s32 s3, s9;
	s6 =	sadd.s32 @!p0 $0x88, s6;
	s7 =	simm.s32 @p2 $0x1082  }
0x22: {  	[simem:s7], [sflag:s8] =	dma.local @!p0 [hbm:s6], $0xF7A  }
0x23: {  	s9 =	sor.u32 $0xD0000000, s2;
	s6 =	simm.s32 $0x108;
	_ =	swait.ge @!p0 [sflag:s8], $0x0  }
0x24: {  	s3 =	sadd.s32 $0x88, s3;
	s6 =	simm.s32 @!p1 $0x1082;
	[sflag:s4] =	ssyncset.s32 $0xFFFFF086  }
0x25: {  	[simem:s6], [sflag:s4] =	dma.local [hbm:s3], $0xF7A  }
0x26: {  	[smem:$0x3F99] =	sst s1;
	(tag) =	ssettag s2;
	_ =	strace s9  }
0x27: {  	s1 =	sld [smem:$0x3FA9]  }
0x28: {  	s2 =	sld [smem:$0x3FAA]  }
0x29: {  	s4 =	sld [smem:$0x3FAC]  }
0x2a: {  	p0 =	seq.s32 s5, $0x0;
	s5 =	sld [smem:$0x3FAD]  }
0x2b: {  	s6 =	sld [smem:$0x3FAE]  }
0x2c: {  	s7 =	sld [smem:$0x3FAF]  }
0x2d: {  	s3 =	simm.s32 $0x108;
	s8 =	sld [smem:$0x3FB0]  }
0x2e: {  	s3 =	simm.s32 @!p0 $0x1082;
	s9 =	sld [smem:$0x3FB1]  }
0x2f: {  	lr =	sadd.s32 s0, s3;
	s0 =	sld [smem:$0x3FA8]  }
0x30: {  	s3 =	sld [smem:$0x3FAB]  }
0x31: {  	[smem:$0x3FB4] =	sst s10  }
0x32: {  	s10 =	sld [smem:$0x3FB2];
	_ =	sdelay $0x3  }
0x33: {  	p0 =	seq.s32 s10, $0x1;
	s10 =	sld [smem:$0x3FB4];
	_ =	sdelay $0x3  }
0x34: {  	[smem:$0x3FB4] =	sst s10  }
0x35: {  	s10 =	sld [smem:$0x3FB3];
	_ =	sdelay $0x3  }
0x36: {  	p1 =	seq.s32 s10, $0x1;
	s10 =	sld [smem:$0x3FB4];
	_ =	sdelay $0x3  }
0x37: {  	[smem:$0x3FB4] =	sst s10  }
0x38: {  	s10 =	sld [smem:$0x3FB5]  }
0x39: {  	_ = 	snop;
	(pc) =	sbr.ind lr, $3  }
0x3a: {  	_ = 	snop  }
0x3b: {  	_ = 	snop  }
0x3c: {  	p2 =	seq.s32 s10, $0x1;
	s10 =	sld [smem:$0x3FB4]  }
0x3d: {  	_ =	shalt  }
0x3e: {  	_ =	shalt  }
0x3f: {  	_ =	shalt  }
0x40: {  	_ =	shalt  }
0x41: {  	_ =	shalt  }
0x42: {  	_ =	shalt  }
0x43: {  	_ =	shalt  }
0x44: {  	_ =	shalt  }
0x45: {  	_ =	shalt  }
0x46: {  	_ =	shalt  }
0x47: {  	_ =	shalt  }
0x48: {  	_ =	shalt  }
0x49: {  	_ =	shalt  }
0x4a: {  	_ =	shalt  }
0x4b: {  	_ =	shalt  }
0x4c: {  	_ =	shalt  }
0x4d: {  	_ =	shalt  }
0x4e: {  	_ =	shalt  }
0x4f: {  	_ =	shalt  }
0x50: {  	_ =	shalt  }
0x51: {  	_ =	shalt  }
0x52: {  	_ =	shalt  }
0x53: {  	_ =	shalt  }
0x54: {  	_ =	shalt  }
0x55: {  	_ =	shalt  }
0x56: {  	_ =	shalt  }
0x57: {  	_ =	shalt  }
0x58: {  	_ =	shalt  }
0x59: {  	_ =	shalt  }
0x5a: {  	_ =	shalt  }
0x5b: {  	_ =	shalt  }
0x5c: {  	_ =	shalt  }
0x5d: {  	_ =	shalt  }
0x5e: {  	_ =	shalt  }
0x5f: {  	_ =	shalt  }
0x60: {  	_ =	shalt  }
0x61: {  	_ =	shalt  }
0x62: {  	_ =	shalt  }
0x63: {  	_ =	shalt  }
0x64: {  	_ =	shalt  }
0x65: {  	_ =	shalt  }
0x66: {  	_ =	shalt  }
0x67: {  	_ =	shalt  }
0x68: {  	_ =	shalt  }
0x69: {  	_ =	shalt  }
0x6a: {  	_ =	shalt  }
0x6b: {  	_ =	shalt  }
0x6c: {  	_ =	shalt  }
0x6d: {  	_ =	shalt  }
0x6e: {  	_ =	shalt  }
0x6f: {  	_ =	shalt  }
0x70: {  	_ =	shalt  }
0x71: {  	_ =	shalt  }
0x72: {  	_ =	shalt  }
0x73: {  	_ =	shalt  }
0x74: {  	_ =	shalt  }
0x75: {  	_ =	shalt  }
0x76: {  	_ =	shalt  }
0x77: {  	_ =	shalt  }
0x78: {  	_ =	shalt  }
0x79: {  	_ =	shalt  }
0x7a: {  	_ =	shalt  }
0x7b: {  	_ =	shalt  }
0x7c: {  	_ =	shalt  }
0x7d: {  	_ =	shalt  }
0x7e: {  	_ =	shalt  }
0x7f: {  	_ =	shalt  }
0x80: {  	_ =	shalt  }
0x81: {  	_ =	shalt  }
0x82: {  	_ =	shalt  }
0x83: {  	_ =	shalt  }
0x84: {  	_ =	shalt  }
0x85: {  	_ =	shalt  }
0x86: {  	_ =	shalt  }
0x87: {  	_ =	shalt  }
.Lfunc_end0:
.L_simem_size_0:
called_computation.1_lowered:
.L_overlay_start_0:
0x88: {  	s2 =	sld [smem:$0x3FD9]  }
0x89: {  	s3 =	sld [smem:$0x3FFE];
	_ =	sdelay $0x1  }
0x8a: {  	s1 =	srdreg.scid  }
0x8b: {  	s0 =	sand.u32 $0x1, s1  }
0x8c: {  	s17 =	sshll.u32 s0, $0xA;
	s2 =	sadd.s32 s3, s2  }
0x8d: {  	s2 =	sadd.s32 s2, s17  }
0x8e: {  	[smem:$0x3FC0] =	sst s2  }
0x8f: {  	_ = 	snop  }
0x90: {  	s2 =	sld [smem:$0x3FD0];
	(tm) =	ssettm $0x1  }
0x91: {  	s18 =	sld [smem:$0x3FFB];
	_ =	sdelay $0x3  }
0x92: {  	_ =	strace s18  }
0x93: {  	s3 =	sld [smem:$0x3FFC];
	_ =	sdelay $0x3  }
0x94: {  	_ =	strace s3  }
0x95: {  	s3 =	sld [smem:$0x3FFD];
	_ =	sdelay $0x3  }
0x96: {  	_ =	strace s3  }
0x97: {  	_ =	strace $0x8FFFFFFF  }
0x98: {  	s19 =	sld [smem:$0x3FDB];
	_ =	sdelay $0x1  }
0x99: {  	s4 =	simm.s32 $_scs_section_size  }
0x9a: {  	s5 =	simm.s32 $_size__tile_overlayer_lowered;
	s6 =	simm.s32 $_tile_overlayer_lowered  }
0x9b: {  	s22 =	simm.s32 $0x1BFF;
	s21 =	sshll.u32 s6, $0x1;
	s3 =	sadd.s32 s4, s19  }
0x9c: {  	s7 =	simm.s32 $0x0;
	s20 =	sshll.u32 s5, $0x1;
	s5 =	sadd.s32 s21, s3  }
0x9d: {  	[timem:s7], [sflag:s22] =	dma.local [hbm:s5], s20  }
0x9e: {  	_ =	swait.ge [sflag:s22], s20  }
0x9f: {  	s4 =	ssub.s32 $0x0, s20;
	[sflag:s22] =	ssyncset.done $0x0  }
0xa0: {  	[sflag:s22] =	ssyncadd.s32 s4;
	_ =	sdelay $0x1  }
0xa1: {  	s23 =	simm.s32 $0x1B8B  }
0xa2: {  	_ =	swait.ge [sflag:s23], $0x1  }
0xa3: {  	[sflag:s23] =	ssyncset.done $0x0  }
0xa4: {  	s25 =	simm.s32 $0x1B8E;
	s24 =	sld [smem:$0x3FFE];
	[sflag:s23] =	ssyncadd.s32 $0xFFFFFFFF  }
0xa5: {  	s26 =	simm.s32 $execute0_lowered;
	[smem:$0x3FD2] =	sst s25  }
0xa6: {  	s5 =	sshll.u32 s26, $0x1;
	_ =	strace $0x80000049;
	[dreg:$0x1] =	wrdreg $0xFFFFFFFF  }
0xa7: {  	s28 =	simm.s32 $_size_execute0_lowered;
	s3 =	sadd.s32 s3, s5;
	[dreg:$0x0] =	wrdreg $0x0  }
0xa8: {  	s5 =	sshll.u32 s28, $0x1;
	[dreg:$0x2] =	wrdreg s3  }
0xa9: {  	[dreg:$0x3] =	wrdreg s5  }
0xaa: {  	[dreg:$0x4] =	wrdreg $0xC0  }
0xab: {  	_ =	task [dreg:s7], $0x5FFFF  }
0xac: {  	[dreg:$0x1] =	wrdreg $0xFFFFFFFF  }
0xad: {  	[dreg:$0x0] =	wrdreg $0x60  }
0xae: {  	[dreg:$0x2] =	wrdreg s24  }
0xaf: {  	[dreg:$0x3] =	wrdreg s2  }
0xb0: {  	[dreg:$0x4] =	wrdreg $0xB0000  }
0xb1: {  	[dreg:$0x5] =	wrdreg $0x150000  }
0xb2: {  	[dreg:$0x6] =	wrdreg $0x9  }
0xb3: {  	_ =	task.clear_ibuf [dreg:s7], $0x7FFFF;
	_ =	strace $0x90000049  }
0xb4: {  	s29 =	simm.s32 $0x9;
	_ =	strace $0x8000004B  }
0xb5: {  	_ =	swait.ge [sflag:s29], $0x1  }
0xb6: {  	[sflag:s29] =	ssyncadd.s32 $0xFFFFFFFF  }
0xb7: {  	_ =	strace $0x9000004B  }
0xb8: {  	_ =	sfence  }
0xb9: {  	s30 =	sld [smem:$0x0];
	_ =	sdelay $0x2  }
0xba: {  	s31 =	sshll.u32 s1, $0xD;
	s1 =	sshrl.u32 s1, $0x2  }
0xbb: {  	s3 =	sand.u32 $0x4000, s31;
	s1 =	sadd.s32 s1, s30  }
0xbc: {  	s0 =	sor.u32 s3, s0;
	s1 =	sshll.u32 s1, $0x11  }
0xbd: {  	s0 =	sor.u32 s1, s0  }
0xbe: {  	s0 =	sadd.s32 $0x8F2B, s0  }
0xbf: {  	[sflag:s0] =	ssyncadd.remote.s32 $0x1  }
0xc0: {  	_ =	sfence.sel $0xFFFF  }
0xc1: {  	[dreg:$0x0] =	wrdreg $0xFFFFFFFF;
	(pc) =	sbr.abs _section_cstart, $3  }
0xc2: {  	[dreg:$0x1] =	wrdreg $0xFFFFFFFF  }
0xc3: {  	_ =	task.clear_ibuf [dreg:s7], $0x2FFFF;
	_ =	strace $0x9FFFFFFF  }
0xc4: {  	(tm) =	ssettm $0x7FFFFFFF  }
0xc5: {  	_ =	shalt  }
tec
execute0_lowered:
.L_overlay_start_1:
0x0: {  	(tag) =	ssettag $0x1  }
0x1: {  	s0 =	rddreg [dreg:$0x0]  }
0x2: {  	s1 =	rddreg [dreg:$0x1]  }
0x3: {  	s2 =	srdreg.scid;
	s3 =	rddreg [dreg:$0x2]  }
0x4: {  	s18 =	stileid.u32;
	s4 =	rddreg [dreg:$0x3];
	s22 =	simm.s32 $0x5000  }
0x5: {  	s23 =	simm.s32 $0x80;
	s24 =	simm.s32 $0x4;
	s6 =	smul.u32 $0xA000, s18  }
0x6: {  	s2 =	sand.u32 $0x1, s2;
	s11 =	smul.u32 $0x28000, s18;
	s31 =	sshll.u32 s18, $0x6  }
0x7: {  	s5 =	sshll.u32 s2, $0x4;
	s9 =	smul.u32 $0xA0000, s2;
	s2 =	ssub.s32 $0x2, s2  }
0x8: {  	s19 =	sor.u32 $0x1C07, s31;
	s7 =	sor.u32 s18, s5;
	s5 =	simm.s32 $0x0  }
0x9: {  	s8 =	sshrl.u32 s6, $0x3;
	s10 =	sshrl.u32 s2, $0x1;
	s26 =	sadd.s32 s6, s3  }
0xa: {  	s28 =	sshrl.u32 s11, $0x2;
	s18 =	simm.s32 $0x7;
	s7 =	smul.u32 $0x500, s7  }
0xb: {  	[smem:$0x7FF] =	sst s5;
	s8 =	sadd.s32 s8, s0;
	s9 =	sadd.s32 s6, s9  }
0xc: {  	s2 =	ssub.s32 s2, s10;
	s6 =	sadd.s32 s6, s4;
	s20 =	sshrl.u32 s26, $0x3  }
0xd: {  	s26 =	simm.s32 $0x0;
	_ =	strace $0x8000004A;
	s9 =	sshrl.u32 s9, $0x3  }
0xe: {  	s29 =	sadd.s32 $0xACC00, s8;
	[dreg:$0x9] =	wrdreg s6;
	s11 =	sadd.s32 $0x98C00, s8  }
0xf: {  	s13 =	smax.u32 s2, $0x1;
	s7 =	sadd.s32 s7, s0;
	s0 =	sadd.s32 s9, s0  }
0x10: {  	[dreg:$0x7] =	wrdreg s29;
	s9 =	sadd.s32 s28, s4;
	s25 =	sadd.s32 $0x16C00, s7  }
0x11: {  	s7 =	sadd.s32 $0x2A00, s7;
	s30 =	sadd.s32 $0xC0C00, s0;
	s12 =	sadd.s32 $0xE8C00, s0  }
0x12: {  	s14 =	sadd.s32 $0x2000, s9;
	s15 =	sadd.s32 $0x4000, s9;
	[dreg:$0x5] =	wrdreg s25  }
0x13: {  	s16 =	sadd.s32 $0x6000, s9;
	s17 =	sadd.s32 $0x8000, s9;
	[dreg:$0x6] =	wrdreg s7  }
0x14: {  	s21 =	sshrl.u32 s9, $0x3;
	[dreg:$0x8] =	wrdreg s30;
	s25 =	simm.s32 $0x5  }
.LBB2_1:
0x15: {  	s0 =	rddreg [dreg:$0x5]  }
0x16: {  	[tilespmem:s5], [sflag:$0x7] =	stream.linear.gather [hbm4b:s0+s5], $0x2800, $0x38;
	[tilespmem:$0x1F000] =	vst v63  }
0x17: {  	_ =	swait.ge [sflag:s18], $0x2800  }
0x18: {  	[sflag:s18] =	ssyncset.done $0x0  }
0x19: {  	s2 =	simm.s32 $0x2800;
	s9 =	rddreg [dreg:$0x6];
	[sflag:s18] =	ssyncadd.s32 $0xFFFFD800  }
0x1a: {  	[tilespmem:s2], [sflag:$0x7] =	stream.linear.gather [hbm4b:s9+s5], $0x2800, $0x38;
	[tilespmem:$0x1F000] =	vst v63  }
0x1b: {  	_ =	swait.ge [sflag:s18], $0x2800  }
0x1c: {  	[sflag:s18] =	ssyncset.done $0x0  }
0x1d: {  	s10 =	rddreg [dreg:$0x7];
	[sflag:s18] =	ssyncadd.s32 $0xFFFFD800  }
0x1e: {  	[spmem:s20], [sflag:s19] =	dma.local [hbm:s10], $0x1400  }
0x1f: {  	_ =	swait.ge [sflag:s18], $0x1400  }
0x20: {  	[sflag:s18] =	ssyncset.done $0x0  }
0x21: {  	[sflag:s18] =	ssyncadd.s32 $0xFFFFEC00  }
0x22: {  	[spmem:s21], [sflag:s19] =	dma.local [hbm:s1], $0x400  }
0x23: {  	_ =	swait.ge [sflag:s18], $0x400  }
0x24: {  	[sflag:s18] =	ssyncset.done $0x0  }
0x25: {  	s28 =	sshrl.u32 s14, $0x3;
	[sflag:s18] =	ssyncadd.s32 $0xFFFFFC00  }
0x26: {  	[spmem:s28], [sflag:s19] =	dma.local [hbm:s1], $0x400  }
0x27: {  	_ =	swait.ge [sflag:s18], $0x400  }
0x28: {  	[sflag:s18] =	ssyncset.done $0x0  }
0x29: {  	s29 =	sshrl.u32 s15, $0x3;
	[sflag:s18] =	ssyncadd.s32 $0xFFFFFC00  }
0x2a: {  	[spmem:s29], [sflag:s19] =	dma.local [hbm:s1], $0x400  }
0x2b: {  	_ =	swait.ge [sflag:s18], $0x400  }
0x2c: {  	[sflag:s18] =	ssyncset.done $0x0  }
0x2d: {  	s30 =	sshrl.u32 s16, $0x3;
	[sflag:s18] =	ssyncadd.s32 $0xFFFFFC00  }
0x2e: {  	[spmem:s30], [sflag:s19] =	dma.local [hbm:s1], $0x400  }
0x2f: {  	_ =	swait.ge [sflag:s18], $0x400  }
0x30: {  	[sflag:s18] =	ssyncset.done $0x0  }
0x31: {  	s31 =	sshrl.u32 s17, $0x3;
	[sflag:s18] =	ssyncadd.s32 $0xFFFFFC00  }
0x32: {  	[spmem:s31], [sflag:s19] =	dma.local [hbm:s1], $0x400  }
0x33: {  	_ =	swait.ge [sflag:s18], $0x400  }
0x34: {  	[sflag:s18] =	ssyncset.done $0x0  }
0x35: {  	[sflag:s18] =	ssyncadd.s32 $0xFFFFFC00  }
0x36: {  	s6 =	simm.s32 $0x0;
	s0 =	simm.s32 $0x80;
	[bflag:$0x0] =	sbarrier.arrive $0xFFFF  }
0x37: {  	[tilespmem:s22], [sflag:$0x1] =	stream.indirect.gather [spmem:s3], $0x40, s5, s23, $0xb8;
	[tilespmem:$0x1F000] =	vst v63  }
.LBB2_2:
0x38: {  	s8 =	smul.u32 $0xAB, s6;
	_ =	sdelay $0x1  }
0x39: {  	s7 =	sadd.s32 $0xAB, s8  }
0x3a: {  	s7 =	sshrl.u32 s7, $0x9  }
0x3b: {  	s7 =	sand.u32 $0x7F, s7  }
0x3c: {  	s9 =	smul.u32 $0x3, s7  }
0x3d: {  	s7 =	sadd.s32 $0x1, s6  }
0x3e: {  	s9 =	ssub.s32 s7, s9  }
0x3f: {  	p0 =	slt.u32 s6, $0x2;
	s9 =	sand.u32 $0xFF, s9  }
0x40: {  	s10 =	sadd.s32 @!p0 $0x4, s9  }
0x41: {  	p1 =	seq.s32 @!p0 s6, $0x4F;
	_ =	swait.ge @!p0 [sflag:s10], $0x2000  }
0x42: {  	p1 =	por p0, !p1;
	s8 =	sshrl.u32 s8, $0x9;
	[sflag:s10] =	ssyncset.done @!p0 $0x0  }
0x43: {  	s8 =	sand.u32 $0x7F, s8;
	[sflag:s10] =	ssyncadd.s32 @!p0 $0xFFFFE000;
	s10 =	sshll.u32 @p1 s9, $0xD  }
0x44: {  	s8 =	smul.u32 $0x3, s8;
	s9 =	sadd.s32 @p1 $0x1, s9;
	s10 =	sadd.s32 @p1 $0x5000, s10  }
0x45: {  	[tilespmem:s10], [sflag:s9] =	stream.indirect.gather @p1 [spmem:s3], $0x40, s0, s23, $0xb8;
	[tilespmem:$0x1F000] =	vst v63  }
0x46: {  	s9 =	ssub.s32 s6, s8  }
0x47: {  	s6 =	sand.u32 $0xFF, s9  }
0x48: {  	p0 =	sne.s32 s7, $0x50;
	s8 =	sadd.s32 $0x1, s6  }
.Ltmp0:
0x49: {  	_ =	swait.ge [sflag:s8], $0x2000;
	(pc) =	sbr.rel @p0 .LBB2_2-.Ltmp0, $4  }
0x4a: {  	s10 =	sshll.u32 s6, $0xD;
	[sflag:s8] =	ssyncset.done $0x0  }
0x4b: {  	s6 =	sadd.s32 $0x4, s6;
	s9 =	sadd.s32 $0x5000, s10;
	[sflag:s8] =	ssyncadd.s32 $0xFFFFE000  }
0x4c: {  	[spmem:s4] =	stream.indirect.scatter.add.f32 [tilespmem:s9], [sflag:s6], $0x40, s2, s23, $0xb8;
	[tilespmem:$0x1F000] =	vst v63  }
0x4d: {  	s0 =	sadd.s32 $0x80, s0;
	s2 =	sadd.s32 $0x80, s2;
	s6 =	smov.u32 s7  }
0x4e: {  	_ =	swait.ge [sflag:s24], $0x2000  }
0x4f: {  	[sflag:s24] =	ssyncset.done $0x0  }
0x50: {  	[sflag:s24] =	ssyncadd.s32 $0xFFFFE000  }
0x51: {  	_ =	swait.ge [sflag:s25], $0x2000  }
0x52: {  	[sflag:s25] =	ssyncset.done $0x0  }
0x53: {  	[sflag:s25] =	ssyncadd.s32 $0xFFFFE000  }
0x54: {  	[bflag:$0x0] =	sbarrier.arrive $0xFFFF  }
0x55: {  	s0 =	rddreg [dreg:$0x9]  }
0x56: {  	s10 =	rddreg [dreg:$0x8];
	s2 =	sshrl.u32 s0, $0x3  }
0x57: {  	[hbm:s10], [sflag:s19] =	dma.local [spmem:s2], $0x1400  }
0x58: {  	_ =	swait.ge [sflag:s18], $0x1400  }
0x59: {  	[sflag:s18] =	ssyncset.done $0x0  }
0x5a: {  	[sflag:s18] =	ssyncadd.s32 $0xFFFFEC00  }
0x5b: {  	[spmem:s20], [sflag:s19] =	dma.local [hbm:s11], $0x1400  }
0x5c: {  	_ =	swait.ge [sflag:s18], $0x1400  }
0x5d: {  	[sflag:s18] =	ssyncset.done $0x0  }
0x5e: {  	[sflag:s18] =	ssyncadd.s32 $0xFFFFEC00  }
0x5f: {  	[spmem:s21], [sflag:s19] =	dma.local [hbm:s1], $0x400  }
0x60: {  	_ =	swait.ge [sflag:s18], $0x400  }
0x61: {  	[sflag:s18] =	ssyncset.done $0x0  }
0x62: {  	[sflag:s18] =	ssyncadd.s32 $0xFFFFFC00  }
0x63: {  	[spmem:s28], [sflag:s19] =	dma.local [hbm:s1], $0x400  }
0x64: {  	_ =	swait.ge [sflag:s18], $0x400  }
0x65: {  	[sflag:s18] =	ssyncset.done $0x0  }
0x66: {  	[sflag:s18] =	ssyncadd.s32 $0xFFFFFC00  }
0x67: {  	[spmem:s29], [sflag:s19] =	dma.local [hbm:s1], $0x400  }
0x68: {  	_ =	swait.ge [sflag:s18], $0x400  }
0x69: {  	[sflag:s18] =	ssyncset.done $0x0  }
0x6a: {  	[sflag:s18] =	ssyncadd.s32 $0xFFFFFC00  }
0x6b: {  	[spmem:s30], [sflag:s19] =	dma.local [hbm:s1], $0x400  }
0x6c: {  	_ =	swait.ge [sflag:s18], $0x400  }
0x6d: {  	[sflag:s18] =	ssyncset.done $0x0  }
0x6e: {  	[sflag:s18] =	ssyncadd.s32 $0xFFFFFC00  }
0x6f: {  	[spmem:s31], [sflag:s19] =	dma.local [hbm:s1], $0x400  }
0x70: {  	_ =	swait.ge [sflag:s18], $0x400  }
0x71: {  	[sflag:s18] =	ssyncset.done $0x0  }
0x72: {  	s0 =	simm.s32 $0x2800;
	[sflag:s18] =	ssyncadd.s32 $0xFFFFFC00  }
0x73: {  	s28 =	simm.s32 $0x80;
	s29 =	simm.s32 $0x0;
	[bflag:$0x0] =	sbarrier.arrive $0xFFFF  }
0x74: {  	[tilespmem:s22], [sflag:$0x1] =	stream.indirect.gather [spmem:s3], $0x40, s29, s28, $0xb8;
	[tilespmem:$0x1F000] =	vst v63  }
.LBB2_4:
0x75: {  	s7 =	smul.u32 $0xAB, s29;
	_ =	sdelay $0x1  }
0x76: {  	s6 =	sadd.s32 $0xAB, s7  }
0x77: {  	s6 =	sshrl.u32 s6, $0x9  }
0x78: {  	s6 =	sand.u32 $0x7F, s6  }
0x79: {  	s8 =	smul.u32 $0x3, s6  }
0x7a: {  	s10 =	sadd.s32 $0x1, s29;
	s7 =	sshrl.u32 s7, $0x9  }
0x7b: {  	s7 =	sand.u32 $0x7F, s7;
	s8 =	ssub.s32 s10, s8  }
0x7c: {  	p0 =	slt.u32 s29, $0x2;
	s7 =	smul.u32 $0x3, s7;
	s8 =	sand.u32 $0xFF, s8  }
0x7d: {  	s9 =	sadd.s32 @!p0 $0x4, s8  }
0x7e: {  	p1 =	seq.s32 @!p0 s29, $0x4F;
	s7 =	ssub.s32 s29, s7;
	_ =	swait.ge @!p0 [sflag:s9], $0x2000  }
0x7f: {  	p1 =	por p0, !p1;
	s7 =	sand.u32 $0xFF, s7;
	[sflag:s9] =	ssyncset.done @!p0 $0x0  }
0x80: {  	s30 =	sadd.s32 $0x1, s7;
	[sflag:s9] =	ssyncadd.s32 @!p0 $0xFFFFE000;
	s9 =	sshll.u32 @p1 s8, $0xD  }
0x81: {  	s8 =	sadd.s32 @p1 $0x1, s8;
	p0 =	sne.s32 s10, $0x50;
	s9 =	sadd.s32 @p1 $0x5000, s9  }
0x82: {  	[tilespmem:s9], [sflag:s8] =	stream.indirect.gather @p1 [spmem:s3], $0x40, s28, s23, $0xb8;
	[tilespmem:$0x1F000] =	vst v63  }
.Ltmp1:
0x83: {  	_ =	swait.ge [sflag:s30], $0x2000;
	(pc) =	sbr.rel @p0 .LBB2_4-.Ltmp1, $4  }
0x84: {  	s31 =	sshll.u32 s7, $0xD;
	[sflag:s30] =	ssyncset.done $0x0  }
0x85: {  	s7 =	sadd.s32 $0x4, s7;
	s9 =	sadd.s32 $0x5000, s31;
	[sflag:s30] =	ssyncadd.s32 $0xFFFFE000  }
0x86: {  	[spmem:s4] =	stream.indirect.scatter.add.f32 [tilespmem:s9], [sflag:s7], $0x40, s0, s23, $0xb8;
	[tilespmem:$0x1F000] =	vst v63  }
0x87: {  	s29 =	smov.u32 s10;
	s28 =	sadd.s32 $0x80, s28;
	s0 =	sadd.s32 $0x80, s0  }
0x88: {  	_ =	swait.ge [sflag:s24], $0x2000  }
0x89: {  	[sflag:s24] =	ssyncset.done $0x0  }
0x8a: {  	[sflag:s24] =	ssyncadd.s32 $0xFFFFE000  }
0x8b: {  	_ =	swait.ge [sflag:s25], $0x2000  }
0x8c: {  	s26 =	sadd.s32 $0x1, s26;
	[sflag:s25] =	ssyncset.done $0x0  }
0x8d: {  	p0 =	sne.s32 s26, s13;
	[sflag:s25] =	ssyncadd.s32 $0xFFFFE000  }
.Ltmp2:
0x8e: {  	[bflag:$0x0] =	sbarrier.arrive $0xFFFF;
	(pc) =	sbr.rel @p0 .LBB2_1-.Ltmp2, $4  }
0x8f: {  	[hbm:s12], [sflag:s19] =	dma.local [spmem:s2], $0x1400  }
0x90: {  	_ =	swait.ge [sflag:s18], $0x1400  }
0x91: {  	[sflag:s18] =	ssyncset.done $0x0  }
0x92: {  	[sflag:s18] =	ssyncadd.s32 $0xFFFFEC00  }
0x93: {  	_ =	sfence.sel $0x180000  }
0x94: {  	[bflag:$0x0] =	sbarrier.arrive $0xFFFF  }
0x95: {  	_ =	strace $0x9000004A  }
0x96: {  	s0 =	stileid.u32;
	[bflag:$0x2] =	sbarrier.arrive $0xFFFF  }
0x97: {  	p0 =	sne.s32 s0, $0x0;
	s0 =	rddreg [dreg:$0x4]  }
0x98: {  	s0 =	sadd.s32 @!p0 $0x100000, s0  }
0x99: {  	[sflag:s0] =	ssyncadd.tile.s32 @!p0 $0x1;
	_ =	shalt  }
.Lfunc_end2:
_tile_overlayer_lowered:
.L_overlay_start_2:
0x9a: {  	(tag) =	ssettag $0x2  }
0x9b: {  	s0 =	rddreg [dreg:$0x0];
	s2 =	stileid.u32  }
0x9c: {  	s1 =	rddreg [dreg:$0x1];
	p0 =	sne.s32 s2, $0x0  }
0x9d: {  	s3 =	rddreg [dreg:$0x2];
	[bflag:$0x3] =	sbarrier.arrive $0xFFFF;
	s2 =	simm.s32 @!p0 $0x1C07  }
0x9e: {  	[timem:s3], [sflag:s2] =	dma.local @!p0 [hbm:s0], s1  }
0x9f: {  	s0 =	simm.s32 @!p0 $0x7  }
0xa0: {  	_ =	swait.ge @!p0 [sflag:s0], s1  }
0xa1: {  	s1 =	ssub.s32 @!p0 $0x0, s1;
	[sflag:s0] =	ssyncset.done @!p0 $0x0  }
0xa2: {  	[sflag:s0] =	ssyncadd.s32 @!p0 s1  }
0xa3: {  	[bflag:$0x3] =	sbarrier.arrive $0xFFFF  }
0xa4: {  	_ =	shalt  }

// kernel: kernel.14.cloned.1.call-start
scs
__scs_entry_jumppad:
0x0: {  	(pc) =	sbr.rel $0x88, $3  }
0x1: {  	(tag) =	ssettag $0x0;
	lr =	simm.s32 $0x1  }
0x2: {  	[smem:$0x3F99] =	sst lr;
	_ =	strace $0xD0000000  }
0x3: {  	_ = 	snop  }
0x4: {  	_ = 	snop  }
0x5: {  	_ = 	snop  }
0x6: {  	_ = 	snop  }
0x7: {  	_ = 	snop  }
__scs_overlays_trampoline_lowered:
0x8: {  	[smem:$0x3FA8] =	sst s0  }
0x9: {  	[smem:$0x3FA9] =	sst s1  }
0xa: {  	[smem:$0x3FAA] =	sst s2  }
0xb: {  	[smem:$0x3FAB] =	sst s3  }
0xc: {  	[smem:$0x3FAC] =	sst s4  }
0xd: {  	[smem:$0x3FAD] =	sst s5  }
0xe: {  	[smem:$0x3FAE] =	sst s6  }
0xf: {  	[smem:$0x3FAF] =	sst s7  }
0x10: {  	[smem:$0x3FB0] =	sst s8  }
0x11: {  	[smem:$0x3FB1] =	sst s9;
	s0 =	simm.s32 @!p0 $0x0  }
0x12: {  	s1 =	sld [smem:$0x3F97];
	s0 =	simm.s32 @p0 $0x1  }
0x13: {  	[smem:$0x3FB2] =	sst s0;
	s0 =	simm.s32 @!p1 $0x0  }
0x14: {  	s2 =	sld [smem:$0x3F96];
	s0 =	simm.s32 @p1 $0x1  }
0x15: {  	[smem:$0x3FB3] =	sst s0;
	s0 =	simm.s32 @!p2 $0x0  }
0x16: {  	s3 =	sld [smem:$0x3FDB];
	s0 =	simm.s32 @p2 $0x1  }
0x17: {  	s4 =	simm.s32 $0x1BF5;
	[smem:$0x3FB5] =	sst s0  }
0x18: {  	s0 =	sld [smem:$0x3F98];
	_ =	swait.ge [sflag:s4], $0x0  }
0x19: {  	s7 =	sld [smem:$0x3F99]  }
0x1a: {  	s8 =	sadd.s32 $0xFFFFE003, lr  }
0x1b: {  	s9 =	sadd.s32 $0xFFFFFEF7, lr;
	s5 =	simm.s32 $0xFFFFFFFF;
	p2 =	slt.u32 s8, $0xFFFFF086  }
0x1c: {  	p1 =	slt.u32 s9, $0xF7A;
	s5 =	simm.s32 @!p2 $0x0  }
0x1d: {  	s5 =	simm.s32 @p1 $0x1;
	p0 =	seq.s32 s7, s2  }
0x1e: {  	s7 =	smul.u32 @!p0 $0xF7A, s2;
	p2 =	seq.s32 @!p0 s5, $0x0  }
0x1f: {  	s9 =	smul.u32 $0xF7A, s1;
	s8 =	simm.s32 @!p0 $0x1BF5;
	p2 =	por !p2, p0  }
0x20: {  	[sflag:s8] =	ssyncset.s32 @!p0 $0xFFFFF086;
	s6 =	sadd.s32 @!p0 s3, s7;
	s7 =	simm.s32 @!p0 $0x108  }
0x21: {  	s3 =	sadd.s32 s3, s9;
	s6 =	sadd.s32 @!p0 $0x88, s6;
	s7 =	simm.s32 @p2 $0x1082  }
0x22: {  	[simem:s7], [sflag:s8] =	dma.local @!p0 [hbm:s6], $0xF7A  }
0x23: {  	s9 =	sor.u32 $0xD0000000, s2;
	s6 =	simm.s32 $0x108;
	_ =	swait.ge @!p0 [sflag:s8], $0x0  }
0x24: {  	s3 =	sadd.s32 $0x88, s3;
	s6 =	simm.s32 @!p1 $0x1082;
	[sflag:s4] =	ssyncset.s32 $0xFFFFF086  }
0x25: {  	[simem:s6], [sflag:s4] =	dma.local [hbm:s3], $0xF7A  }
0x26: {  	[smem:$0x3F99] =	sst s1;
	(tag) =	ssettag s2;
	_ =	strace s9  }
0x27: {  	s1 =	sld [smem:$0x3FA9]  }
0x28: {  	s2 =	sld [smem:$0x3FAA]  }
0x29: {  	s4 =	sld [smem:$0x3FAC]  }
0x2a: {  	p0 =	seq.s32 s5, $0x0;
	s5 =	sld [smem:$0x3FAD]  }
0x2b: {  	s6 =	sld [smem:$0x3FAE]  }
0x2c: {  	s7 =	sld [smem:$0x3FAF]  }
0x2d: {  	s3 =	simm.s32 $0x108;
	s8 =	sld [smem:$0x3FB0]  }
0x2e: {  	s3 =	simm.s32 @!p0 $0x1082;
	s9 =	sld [smem:$0x3FB1]  }
0x2f: {  	lr =	sadd.s32 s0, s3;
	s0 =	sld [smem:$0x3FA8]  }
0x30: {  	s3 =	sld [smem:$0x3FAB]  }
0x31: {  	[smem:$0x3FB4] =	sst s10  }
0x32: {  	s10 =	sld [smem:$0x3FB2];
	_ =	sdelay $0x3  }
0x33: {  	p0 =	seq.s32 s10, $0x1;
	s10 =	sld [smem:$0x3FB4];
	_ =	sdelay $0x3  }
0x34: {  	[smem:$0x3FB4] =	sst s10  }
0x35: {  	s10 =	sld [smem:$0x3FB3];
	_ =	sdelay $0x3  }
0x36: {  	p1 =	seq.s32 s10, $0x1;
	s10 =	sld [smem:$0x3FB4];
	_ =	sdelay $0x3  }
0x37: {  	[smem:$0x3FB4] =	sst s10  }
0x38: {  	s10 =	sld [smem:$0x3FB5]  }
0x39: {  	_ = 	snop;
	(pc) =	sbr.ind lr, $3  }
0x3a: {  	_ = 	snop  }
0x3b: {  	_ = 	snop  }
0x3c: {  	p2 =	seq.s32 s10, $0x1;
	s10 =	sld [smem:$0x3FB4]  }
0x3d: {  	_ =	shalt  }
0x3e: {  	_ =	shalt  }
0x3f: {  	_ =	shalt  }
0x40: {  	_ =	shalt  }
0x41: {  	_ =	shalt  }
0x42: {  	_ =	shalt  }
0x43: {  	_ =	shalt  }
0x44: {  	_ =	shalt  }
0x45: {  	_ =	shalt  }
0x46: {  	_ =	shalt  }
0x47: {  	_ =	shalt  }
0x48: {  	_ =	shalt  }
0x49: {  	_ =	shalt  }
0x4a: {  	_ =	shalt  }
0x4b: {  	_ =	shalt  }
0x4c: {  	_ =	shalt  }
0x4d: {  	_ =	shalt  }
0x4e: {  	_ =	shalt  }
0x4f: {  	_ =	shalt  }
0x50: {  	_ =	shalt  }
0x51: {  	_ =	shalt  }
0x52: {  	_ =	shalt  }
0x53: {  	_ =	shalt  }
0x54: {  	_ =	shalt  }
0x55: {  	_ =	shalt  }
0x56: {  	_ =	shalt  }
0x57: {  	_ =	shalt  }
0x58: {  	_ =	shalt  }
0x59: {  	_ =	shalt  }
0x5a: {  	_ =	shalt  }
0x5b: {  	_ =	shalt  }
0x5c: {  	_ =	shalt  }
0x5d: {  	_ =	shalt  }
0x5e: {  	_ =	shalt  }
0x5f: {  	_ =	shalt  }
0x60: {  	_ =	shalt  }
0x61: {  	_ =	shalt  }
0x62: {  	_ =	shalt  }
0x63: {  	_ =	shalt  }
0x64: {  	_ =	shalt  }
0x65: {  	_ =	shalt  }
0x66: {  	_ =	shalt  }
0x67: {  	_ =	shalt  }
0x68: {  	_ =	shalt  }
0x69: {  	_ =	shalt  }
0x6a: {  	_ =	shalt  }
0x6b: {  	_ =	shalt  }
0x6c: {  	_ =	shalt  }
0x6d: {  	_ =	shalt  }
0x6e: {  	_ =	shalt  }
0x6f: {  	_ =	shalt  }
0x70: {  	_ =	shalt  }
0x71: {  	_ =	shalt  }
0x72: {  	_ =	shalt  }
0x73: {  	_ =	shalt  }
0x74: {  	_ =	shalt  }
0x75: {  	_ =	shalt  }
0x76: {  	_ =	shalt  }
0x77: {  	_ =	shalt  }
0x78: {  	_ =	shalt  }
0x79: {  	_ =	shalt  }
0x7a: {  	_ =	shalt  }
0x7b: {  	_ =	shalt  }
0x7c: {  	_ =	shalt  }
0x7d: {  	_ =	shalt  }
0x7e: {  	_ =	shalt  }
0x7f: {  	_ =	shalt  }
0x80: {  	_ =	shalt  }
0x81: {  	_ =	shalt  }
0x82: {  	_ =	shalt  }
0x83: {  	_ =	shalt  }
0x84: {  	_ =	shalt  }
0x85: {  	_ =	shalt  }
0x86: {  	_ =	shalt  }
0x87: {  	_ =	shalt  }
.Lfunc_end0:
.L_simem_size_0:
called_computation.2_lowered:
.L_overlay_start_0:
0x88: {  	s2 =	sld [smem:$0x3FD9]  }
0x89: {  	s3 =	sld [smem:$0x3FFE];
	_ =	sdelay $0x1  }
0x8a: {  	s1 =	srdreg.scid  }
0x8b: {  	s0 =	sand.u32 $0x1, s1  }
0x8c: {  	s17 =	sshll.u32 s0, $0xA;
	s2 =	sadd.s32 s3, s2  }
0x8d: {  	s2 =	sadd.s32 s2, s17  }
0x8e: {  	[smem:$0x3FC0] =	sst s2  }
0x8f: {  	_ = 	snop  }
0x90: {  	s2 =	sld [smem:$0x3FD0];
	(tm) =	ssettm $0x1  }
0x91: {  	s18 =	sld [smem:$0x3FFB];
	_ =	sdelay $0x3  }
0x92: {  	_ =	strace s18  }
0x93: {  	s3 =	sld [smem:$0x3FFC];
	_ =	sdelay $0x3  }
0x94: {  	_ =	strace s3  }
0x95: {  	s3 =	sld [smem:$0x3FFD];
	_ =	sdelay $0x3  }
0x96: {  	_ =	strace s3  }
0x97: {  	_ =	strace $0x8FFFFFFF  }
0x98: {  	s19 =	sld [smem:$0x3FDB];
	_ =	sdelay $0x1  }
0x99: {  	s4 =	simm.s32 $_scs_section_size  }
0x9a: {  	s5 =	simm.s32 $_size__tile_overlayer_lowered;
	s6 =	simm.s32 $_tile_overlayer_lowered  }
0x9b: {  	s22 =	simm.s32 $0x1BFF;
	s21 =	sshll.u32 s6, $0x1;
	s3 =	sadd.s32 s4, s19  }
0x9c: {  	s7 =	simm.s32 $0x0;
	s20 =	sshll.u32 s5, $0x1;
	s5 =	sadd.s32 s21, s3  }
0x9d: {  	[timem:s7], [sflag:s22] =	dma.local [hbm:s5], s20  }
0x9e: {  	_ =	swait.ge [sflag:s22], s20  }
0x9f: {  	s4 =	ssub.s32 $0x0, s20;
	[sflag:s22] =	ssyncset.done $0x0  }
0xa0: {  	[sflag:s22] =	ssyncadd.s32 s4;
	_ =	sdelay $0x1  }
0xa1: {  	s23 =	simm.s32 $0x1B8B  }
0xa2: {  	_ =	swait.ge [sflag:s23], $0x1  }
0xa3: {  	[sflag:s23] =	ssyncset.done $0x0  }
0xa4: {  	s25 =	simm.s32 $0x1B8E;
	s24 =	sld [smem:$0x3FFE];
	[sflag:s23] =	ssyncadd.s32 $0xFFFFFFFF  }
0xa5: {  	s26 =	simm.s32 $execute0_lowered;
	[smem:$0x3FD2] =	sst s25  }
0xa6: {  	s5 =	sshll.u32 s26, $0x1;
	_ =	strace $0x8000004C;
	[dreg:$0x1] =	wrdreg $0xFFFFFFFF  }
0xa7: {  	s28 =	simm.s32 $_size_execute0_lowered;
	s3 =	sadd.s32 s3, s5;
	[dreg:$0x0] =	wrdreg $0x0  }
0xa8: {  	s5 =	sshll.u32 s28, $0x1;
	[dreg:$0x2] =	wrdreg s3  }
0xa9: {  	[dreg:$0x3] =	wrdreg s5  }
0xaa: {  	[dreg:$0x4] =	wrdreg $0xC0  }
0xab: {  	_ =	task [dreg:s7], $0x5FFFF  }
0xac: {  	[dreg:$0x1] =	wrdreg $0xFFFFFFFF  }
0xad: {  	[dreg:$0x0] =	wrdreg $0x60  }
0xae: {  	[dreg:$0x2] =	wrdreg s24  }
0xaf: {  	[dreg:$0x3] =	wrdreg s2  }
0xb0: {  	[dreg:$0x4] =	wrdreg $0xB0000  }
0xb1: {  	[dreg:$0x5] =	wrdreg $0x150000  }
0xb2: {  	[dreg:$0x6] =	wrdreg $0x9  }
0xb3: {  	_ =	task.clear_ibuf [dreg:s7], $0x7FFFF;
	_ =	strace $0x9000004C  }
0xb4: {  	s29 =	simm.s32 $0x9;
	_ =	strace $0x8000004E  }
0xb5: {  	_ =	swait.ge [sflag:s29], $0x1  }
0xb6: {  	[sflag:s29] =	ssyncadd.s32 $0xFFFFFFFF  }
0xb7: {  	_ =	strace $0x9000004E  }
0xb8: {  	_ =	sfence  }
0xb9: {  	s30 =	sld [smem:$0x0];
	_ =	sdelay $0x2  }
0xba: {  	s31 =	sshll.u32 s1, $0xD;
	s1 =	sshrl.u32 s1, $0x2  }
0xbb: {  	s3 =	sand.u32 $0x4000, s31;
	s1 =	sadd.s32 s1, s30  }
0xbc: {  	s0 =	sor.u32 s3, s0;
	s1 =	sshll.u32 s1, $0x11  }
0xbd: {  	s0 =	sor.u32 s1, s0  }
0xbe: {  	s0 =	sadd.s32 $0x8F2B, s0  }
0xbf: {  	[sflag:s0] =	ssyncadd.remote.s32 $0x1  }
0xc0: {  	_ =	sfence.sel $0xFFFF  }
0xc1: {  	[dreg:$0x0] =	wrdreg $0xFFFFFFFF;
	(pc) =	sbr.abs _section_cstart, $3  }
0xc2: {  	[dreg:$0x1] =	wrdreg $0xFFFFFFFF  }
0xc3: {  	_ =	task.clear_ibuf [dreg:s7], $0x2FFFF;
	_ =	strace $0x9FFFFFFF  }
0xc4: {  	(tm) =	ssettm $0x7FFFFFFF  }
0xc5: {  	_ =	shalt  }
tec
execute0_lowered:
.L_overlay_start_1:
0x0: {  	(tag) =	ssettag $0x1  }
0x1: {  	s6 =	rddreg [dreg:$0x0]  }
0x2: {  	s1 =	rddreg [dreg:$0x1]  }
0x3: {  	s3 =	rddreg [dreg:$0x2]  }
0x4: {  	s0 =	srdreg.scid;
	s4 =	rddreg [dreg:$0x3]  }
0x5: {  	s5 =	simm.s32 $0x0;
	s20 =	simm.s32 $0x80;
	s21 =	simm.s32 $0x4  }
0x6: {  	s22 =	simm.s32 $0x5;
	s7 =	sand.u32 $0x1, s0;
	s0 =	stileid.u32  }
0x7: {  	s24 =	simm.s32 $0x0;
	[smem:$0x7FF] =	sst s5;
	s10 =	smul.u32 $0xA000, s0  }
0x8: {  	s2 =	sshll.u32 s7, $0x4;
	s11 =	smul.u32 $0xA0000, s7;
	_ =	strace $0x8000004D  }
0x9: {  	s7 =	ssub.s32 $0x2, s7;
	s13 =	smul.u32 $0x28000, s0;
	s8 =	sor.u32 s0, s2  }
0xa: {  	s31 =	sshll.u32 s0, $0x6;
	s12 =	sshrl.u32 s7, $0x1;
	s8 =	smul.u32 $0x500, s8  }
0xb: {  	s9 =	sshrl.u32 s10, $0x3;
	s11 =	sadd.s32 s10, s11;
	s12 =	ssub.s32 s7, s12  }
0xc: {  	s14 =	sadd.s32 s10, s3;
	s13 =	sshrl.u32 s13, $0x2;
	s23 =	sadd.s32 s10, s4  }
0xd: {  	s9 =	sadd.s32 s9, s6;
	s11 =	sshrl.u32 s11, $0x3;
	s15 =	sadd.s32 s13, s4  }
0xe: {  	s10 =	smax.u32 s12, $0x1;
	s12 =	sor.u32 $0x1C07, s31;
	s13 =	sshrl.u32 s14, $0x3  }
0xf: {  	s23 =	sshrl.u32 s23, $0x3;
	s8 =	sadd.s32 s8, s6;
	s11 =	sadd.s32 s11, s6  }
0x10: {  	s16 =	sadd.s32 $0x2000, s15;
	s17 =	sadd.s32 $0x4000, s15;
	s18 =	sadd.s32 $0x6000, s15  }
0x11: {  	s19 =	sadd.s32 $0x8000, s15;
	s14 =	sshrl.u32 s15, $0x3;
	s6 =	sadd.s32 $0x16C00, s8  }
0x12: {  	s7 =	sadd.s32 $0x2A00, s8;
	s8 =	sadd.s32 $0x70C00, s9;
	s9 =	sadd.s32 $0x84C00, s11  }
0x13: {  	s11 =	simm.s32 $0x7;
	s15 =	sshrl.u32 s16, $0x3;
	s16 =	sshrl.u32 s17, $0x3  }
0x14: {  	s17 =	sshrl.u32 s18, $0x3;
	s18 =	sshrl.u32 s19, $0x3;
	s19 =	simm.s32 $0x5000  }
.LBB2_1:
0x15: {  	[tilespmem:s5], [sflag:$0x7] =	stream.linear.gather [hbm4b:s6+s5], $0x2800, $0x38;
	[tilespmem:$0x1F000] =	vst v63  }
0x16: {  	_ =	swait.ge [sflag:s11], $0x2800  }
0x17: {  	[sflag:s11] =	ssyncset.done $0x0  }
0x18: {  	s25 =	simm.s32 $0x2800;
	[sflag:s11] =	ssyncadd.s32 $0xFFFFD800  }
0x19: {  	[tilespmem:s25], [sflag:$0x7] =	stream.linear.gather [hbm4b:s7+s5], $0x2800, $0x38;
	[tilespmem:$0x1F000] =	vst v63  }
0x1a: {  	_ =	swait.ge [sflag:s11], $0x2800  }
0x1b: {  	[sflag:s11] =	ssyncset.done $0x0  }
0x1c: {  	[sflag:s11] =	ssyncadd.s32 $0xFFFFD800  }
0x1d: {  	[spmem:s13], [sflag:s12] =	dma.local [hbm:s8], $0x1400  }
0x1e: {  	_ =	swait.ge [sflag:s11], $0x1400  }
0x1f: {  	[sflag:s11] =	ssyncset.done $0x0  }
0x20: {  	[sflag:s11] =	ssyncadd.s32 $0xFFFFEC00  }
0x21: {  	[spmem:s14], [sflag:s12] =	dma.local [hbm:s1], $0x400  }
0x22: {  	_ =	swait.ge [sflag:s11], $0x400  }
0x23: {  	[sflag:s11] =	ssyncset.done $0x0  }
0x24: {  	[sflag:s11] =	ssyncadd.s32 $0xFFFFFC00  }
0x25: {  	[spmem:s15], [sflag:s12] =	dma.local [hbm:s1], $0x400  }
0x26: {  	_ =	swait.ge [sflag:s11], $0x400  }
0x27: {  	[sflag:s11] =	ssyncset.done $0x0  }
0x28: {  	[sflag:s11] =	ssyncadd.s32 $0xFFFFFC00  }
0x29: {  	[spmem:s16], [sflag:s12] =	dma.local [hbm:s1], $0x400  }
0x2a: {  	_ =	swait.ge [sflag:s11], $0x400  }
0x2b: {  	[sflag:s11] =	ssyncset.done $0x0  }
0x2c: {  	[sflag:s11] =	ssyncadd.s32 $0xFFFFFC00  }
0x2d: {  	[spmem:s17], [sflag:s12] =	dma.local [hbm:s1], $0x400  }
0x2e: {  	_ =	swait.ge [sflag:s11], $0x400  }
0x2f: {  	[sflag:s11] =	ssyncset.done $0x0  }
0x30: {  	[sflag:s11] =	ssyncadd.s32 $0xFFFFFC00  }
0x31: {  	[spmem:s18], [sflag:s12] =	dma.local [hbm:s1], $0x400  }
0x32: {  	_ =	swait.ge [sflag:s11], $0x400  }
0x33: {  	[sflag:s11] =	ssyncset.done $0x0  }
0x34: {  	[sflag:s11] =	ssyncadd.s32 $0xFFFFFC00  }
0x35: {  	s26 =	simm.s32 $0x80;
	s29 =	simm.s32 $0x0;
	[bflag:$0x0] =	sbarrier.arrive $0xFFFF  }
0x36: {  	[tilespmem:s19], [sflag:$0x1] =	stream.indirect.gather [spmem:s3], $0x40, s5, s20, $0xb8;
	[tilespmem:$0x1F000] =	vst v63  }
.LBB2_2:
0x37: {  	s30 =	smul.u32 $0xAB, s29;
	_ =	sdelay $0x1  }
0x38: {  	s28 =	sadd.s32 $0xAB, s30  }
0x39: {  	s28 =	sshrl.u32 s28, $0x9  }
0x3a: {  	s28 =	sand.u32 $0x7F, s28  }
0x3b: {  	s31 =	smul.u32 $0x3, s28  }
0x3c: {  	s28 =	sadd.s32 $0x1, s29  }
0x3d: {  	s31 =	ssub.s32 s28, s31  }
0x3e: {  	p0 =	slt.u32 s29, $0x2;
	s31 =	sand.u32 $0xFF, s31  }
0x3f: {  	s2 =	sadd.s32 @!p0 $0x4, s31  }
0x40: {  	p1 =	seq.s32 @!p0 s29, $0x4F;
	_ =	swait.ge @!p0 [sflag:s2], $0x2000  }
0x41: {  	p1 =	por p0, !p1;
	[sflag:s2] =	ssyncset.done @!p0 $0x0  }
0x42: {  	[sflag:s2] =	ssyncadd.s32 @!p0 $0xFFFFE000;
	s2 =	sshll.u32 @p1 s31, $0xD  }
0x43: {  	s30 =	sshrl.u32 s30, $0x9;
	s31 =	sadd.s32 @p1 $0x1, s31;
	s2 =	sadd.s32 @p1 $0x5000, s2  }
0x44: {  	[tilespmem:s2], [sflag:s31] =	stream.indirect.gather @p1 [spmem:s3], $0x40, s26, s20, $0xb8;
	[tilespmem:$0x1F000] =	vst v63  }
0x45: {  	s2 =	sand.u32 $0x7F, s30  }
0x46: {  	s2 =	smul.u32 $0x3, s2;
	_ =	sdelay $0x1  }
0x47: {  	s2 =	ssub.s32 s29, s2  }
0x48: {  	s2 =	sand.u32 $0xFF, s2  }
0x49: {  	p0 =	sne.s32 s28, $0x50;
	s29 =	sadd.s32 $0x1, s2  }
.Ltmp0:
0x4a: {  	_ =	swait.ge [sflag:s29], $0x2000;
	(pc) =	sbr.rel @p0 .LBB2_2-.Ltmp0, $4  }
0x4b: {  	s31 =	sshll.u32 s2, $0xD;
	[sflag:s29] =	ssyncset.done $0x0  }
0x4c: {  	s2 =	sadd.s32 $0x4, s2;
	s30 =	sadd.s32 $0x5000, s31;
	[sflag:s29] =	ssyncadd.s32 $0xFFFFE000  }
0x4d: {  	[spmem:s4] =	stream.indirect.scatter.add.f32 [tilespmem:s30], [sflag:s2], $0x40, s25, s20, $0xb8;
	[tilespmem:$0x1F000] =	vst v63  }
0x4e: {  	s26 =	sadd.s32 $0x80, s26;
	s29 =	smov.u32 s28;
	s25 =	sadd.s32 $0x80, s25  }
0x4f: {  	_ =	swait.ge [sflag:s21], $0x2000  }
0x50: {  	[sflag:s21] =	ssyncset.done $0x0  }
0x51: {  	[sflag:s21] =	ssyncadd.s32 $0xFFFFE000  }
0x52: {  	_ =	swait.ge [sflag:s22], $0x2000  }
0x53: {  	s24 =	sadd.s32 $0x1, s24;
	[sflag:s22] =	ssyncset.done $0x0  }
0x54: {  	p0 =	sne.s32 s24, s10;
	[sflag:s22] =	ssyncadd.s32 $0xFFFFE000  }
.Ltmp1:
0x55: {  	[bflag:$0x0] =	sbarrier.arrive $0xFFFF;
	(pc) =	sbr.rel @p0 .LBB2_1-.Ltmp1, $4  }
0x56: {  	[hbm:s9], [sflag:s12] =	dma.local [spmem:s23], $0x1400  }
0x57: {  	_ =	swait.ge [sflag:s11], $0x1400  }
0x58: {  	[sflag:s11] =	ssyncset.done $0x0  }
0x59: {  	[sflag:s11] =	ssyncadd.s32 $0xFFFFEC00  }
0x5a: {  	_ =	sfence.sel $0x180000  }
0x5b: {  	[bflag:$0x0] =	sbarrier.arrive $0xFFFF  }
0x5c: {  	_ =	strace $0x9000004D  }
0x5d: {  	[bflag:$0x2] =	sbarrier.arrive $0xFFFF  }
0x5e: {  	p0 =	sne.s32 s0, $0x0;
	s0 =	rddreg [dreg:$0x4]  }
0x5f: {  	s0 =	sadd.s32 @!p0 $0x100000, s0  }
0x60: {  	[sflag:s0] =	ssyncadd.tile.s32 @!p0 $0x1;
	_ =	shalt  }
.Lfunc_end2:
_tile_overlayer_lowered:
.L_overlay_start_2:
0x61: {  	(tag) =	ssettag $0x2  }
0x62: {  	s0 =	rddreg [dreg:$0x0];
	s2 =	stileid.u32  }
0x63: {  	s1 =	rddreg [dreg:$0x1];
	p0 =	sne.s32 s2, $0x0  }
0x64: {  	s3 =	rddreg [dreg:$0x2];
	[bflag:$0x3] =	sbarrier.arrive $0xFFFF;
	s2 =	simm.s32 @!p0 $0x1C07  }
0x65: {  	[timem:s3], [sflag:s2] =	dma.local @!p0 [hbm:s0], s1  }
0x66: {  	s0 =	simm.s32 @!p0 $0x7  }
0x67: {  	_ =	swait.ge @!p0 [sflag:s0], s1  }
0x68: {  	s1 =	ssub.s32 @!p0 $0x0, s1;
	[sflag:s0] =	ssyncset.done @!p0 $0x0  }
0x69: {  	[sflag:s0] =	ssyncadd.s32 @!p0 s1  }
0x6a: {  	[bflag:$0x3] =	sbarrier.arrive $0xFFFF  }
0x6b: {  	_ =	shalt  }

// kernel: kernel.8.cloned.1.call-start
scs
__scs_entry_jumppad:
0x0: {  	(pc) =	sbr.rel $0x88, $3  }
0x1: {  	(tag) =	ssettag $0x0;
	lr =	simm.s32 $0x1  }
0x2: {  	[smem:$0x3F99] =	sst lr;
	_ =	strace $0xD0000000  }
0x3: {  	_ = 	snop  }
0x4: {  	_ = 	snop  }
0x5: {  	_ = 	snop  }
0x6: {  	_ = 	snop  }
0x7: {  	_ = 	snop  }
__scs_overlays_trampoline_lowered:
0x8: {  	[smem:$0x3FA8] =	sst s0  }
0x9: {  	[smem:$0x3FA9] =	sst s1  }
0xa: {  	[smem:$0x3FAA] =	sst s2  }
0xb: {  	[smem:$0x3FAB] =	sst s3  }
0xc: {  	[smem:$0x3FAC] =	sst s4  }
0xd: {  	[smem:$0x3FAD] =	sst s5  }
0xe: {  	[smem:$0x3FAE] =	sst s6  }
0xf: {  	[smem:$0x3FAF] =	sst s7  }
0x10: {  	[smem:$0x3FB0] =	sst s8  }
0x11: {  	[smem:$0x3FB1] =	sst s9;
	s0 =	simm.s32 @!p0 $0x0  }
0x12: {  	s1 =	sld [smem:$0x3F97];
	s0 =	simm.s32 @p0 $0x1  }
0x13: {  	[smem:$0x3FB2] =	sst s0;
	s0 =	simm.s32 @!p1 $0x0  }
0x14: {  	s2 =	sld [smem:$0x3F96];
	s0 =	simm.s32 @p1 $0x1  }
0x15: {  	[smem:$0x3FB3] =	sst s0;
	s0 =	simm.s32 @!p2 $0x0  }
0x16: {  	s3 =	sld [smem:$0x3FDB];
	s0 =	simm.s32 @p2 $0x1  }
0x17: {  	s4 =	simm.s32 $0x1BF5;
	[smem:$0x3FB5] =	sst s0  }
0x18: {  	s0 =	sld [smem:$0x3F98];
	_ =	swait.ge [sflag:s4], $0x0  }
0x19: {  	s7 =	sld [smem:$0x3F99]  }
0x1a: {  	s8 =	sadd.s32 $0xFFFFE003, lr  }
0x1b: {  	s9 =	sadd.s32 $0xFFFFFEF7, lr;
	s5 =	simm.s32 $0xFFFFFFFF;
	p2 =	slt.u32 s8, $0xFFFFF086  }
0x1c: {  	p1 =	slt.u32 s9, $0xF7A;
	s5 =	simm.s32 @!p2 $0x0  }
0x1d: {  	s5 =	simm.s32 @p1 $0x1;
	p0 =	seq.s32 s7, s2  }
0x1e: {  	s7 =	smul.u32 @!p0 $0xF7A, s2;
	p2 =	seq.s32 @!p0 s5, $0x0  }
0x1f: {  	s9 =	smul.u32 $0xF7A, s1;
	s8 =	simm.s32 @!p0 $0x1BF5;
	p2 =	por !p2, p0  }
0x20: {  	[sflag:s8] =	ssyncset.s32 @!p0 $0xFFFFF086;
	s6 =	sadd.s32 @!p0 s3, s7;
	s7 =	simm.s32 @!p0 $0x108  }
0x21: {  	s3 =	sadd.s32 s3, s9;
	s6 =	sadd.s32 @!p0 $0x88, s6;
	s7 =	simm.s32 @p2 $0x1082  }
0x22: {  	[simem:s7], [sflag:s8] =	dma.local @!p0 [hbm:s6], $0xF7A  }
0x23: {  	s9 =	sor.u32 $0xD0000000, s2;
	s6 =	simm.s32 $0x108;
	_ =	swait.ge @!p0 [sflag:s8], $0x0  }
0x24: {  	s3 =	sadd.s32 $0x88, s3;
	s6 =	simm.s32 @!p1 $0x1082;
	[sflag:s4] =	ssyncset.s32 $0xFFFFF086  }
0x25: {  	[simem:s6], [sflag:s4] =	dma.local [hbm:s3], $0xF7A  }
0x26: {  	[smem:$0x3F99] =	sst s1;
	(tag) =	ssettag s2;
	_ =	strace s9  }
0x27: {  	s1 =	sld [smem:$0x3FA9]  }
0x28: {  	s2 =	sld [smem:$0x3FAA]  }
0x29: {  	s4 =	sld [smem:$0x3FAC]  }
0x2a: {  	p0 =	seq.s32 s5, $0x0;
	s5 =	sld [smem:$0x3FAD]  }
0x2b: {  	s6 =	sld [smem:$0x3FAE]  }
0x2c: {  	s7 =	sld [smem:$0x3FAF]  }
0x2d: {  	s3 =	simm.s32 $0x108;
	s8 =	sld [smem:$0x3FB0]  }
0x2e: {  	s3 =	simm.s32 @!p0 $0x1082;
	s9 =	sld [smem:$0x3FB1]  }
0x2f: {  	lr =	sadd.s32 s0, s3;
	s0 =	sld [smem:$0x3FA8]  }
0x30: {  	s3 =	sld [smem:$0x3FAB]  }
0x31: {  	[smem:$0x3FB4] =	sst s10  }
0x32: {  	s10 =	sld [smem:$0x3FB2];
	_ =	sdelay $0x3  }
0x33: {  	p0 =	seq.s32 s10, $0x1;
	s10 =	sld [smem:$0x3FB4];
	_ =	sdelay $0x3  }
0x34: {  	[smem:$0x3FB4] =	sst s10  }
0x35: {  	s10 =	sld [smem:$0x3FB3];
	_ =	sdelay $0x3  }
0x36: {  	p1 =	seq.s32 s10, $0x1;
	s10 =	sld [smem:$0x3FB4];
	_ =	sdelay $0x3  }
0x37: {  	[smem:$0x3FB4] =	sst s10  }
0x38: {  	s10 =	sld [smem:$0x3FB5]  }
0x39: {  	_ = 	snop;
	(pc) =	sbr.ind lr, $3  }
0x3a: {  	_ = 	snop  }
0x3b: {  	_ = 	snop  }
0x3c: {  	p2 =	seq.s32 s10, $0x1;
	s10 =	sld [smem:$0x3FB4]  }
0x3d: {  	_ =	shalt  }
0x3e: {  	_ =	shalt  }
0x3f: {  	_ =	shalt  }
0x40: {  	_ =	shalt  }
0x41: {  	_ =	shalt  }
0x42: {  	_ =	shalt  }
0x43: {  	_ =	shalt  }
0x44: {  	_ =	shalt  }
0x45: {  	_ =	shalt  }
0x46: {  	_ =	shalt  }
0x47: {  	_ =	shalt  }
0x48: {  	_ =	shalt  }
0x49: {  	_ =	shalt  }
0x4a: {  	_ =	shalt  }
0x4b: {  	_ =	shalt  }
0x4c: {  	_ =	shalt  }
0x4d: {  	_ =	shalt  }
0x4e: {  	_ =	shalt  }
0x4f: {  	_ =	shalt  }
0x50: {  	_ =	shalt  }
0x51: {  	_ =	shalt  }
0x52: {  	_ =	shalt  }
0x53: {  	_ =	shalt  }
0x54: {  	_ =	shalt  }
0x55: {  	_ =	shalt  }
0x56: {  	_ =	shalt  }
0x57: {  	_ =	shalt  }
0x58: {  	_ =	shalt  }
0x59: {  	_ =	shalt  }
0x5a: {  	_ =	shalt  }
0x5b: {  	_ =	shalt  }
0x5c: {  	_ =	shalt  }
0x5d: {  	_ =	shalt  }
0x5e: {  	_ =	shalt  }
0x5f: {  	_ =	shalt  }
0x60: {  	_ =	shalt  }
0x61: {  	_ =	shalt  }
0x62: {  	_ =	shalt  }
0x63: {  	_ =	shalt  }
0x64: {  	_ =	shalt  }
0x65: {  	_ =	shalt  }
0x66: {  	_ =	shalt  }
0x67: {  	_ =	shalt  }
0x68: {  	_ =	shalt  }
0x69: {  	_ =	shalt  }
0x6a: {  	_ =	shalt  }
0x6b: {  	_ =	shalt  }
0x6c: {  	_ =	shalt  }
0x6d: {  	_ =	shalt  }
0x6e: {  	_ =	shalt  }
0x6f: {  	_ =	shalt  }
0x70: {  	_ =	shalt  }
0x71: {  	_ =	shalt  }
0x72: {  	_ =	shalt  }
0x73: {  	_ =	shalt  }
0x74: {  	_ =	shalt  }
0x75: {  	_ =	shalt  }
0x76: {  	_ =	shalt  }
0x77: {  	_ =	shalt  }
0x78: {  	_ =	shalt  }
0x79: {  	_ =	shalt  }
0x7a: {  	_ =	shalt  }
0x7b: {  	_ =	shalt  }
0x7c: {  	_ =	shalt  }
0x7d: {  	_ =	shalt  }
0x7e: {  	_ =	shalt  }
0x7f: {  	_ =	shalt  }
0x80: {  	_ =	shalt  }
0x81: {  	_ =	shalt  }
0x82: {  	_ =	shalt  }
0x83: {  	_ =	shalt  }
0x84: {  	_ =	shalt  }
0x85: {  	_ =	shalt  }
0x86: {  	_ =	shalt  }
0x87: {  	_ =	shalt  }
.Lfunc_end0:
.L_simem_size_0:
called_computation_lowered:
.L_overlay_start_0:
0x88: {  	s2 =	sld [smem:$0x3FD9]  }
0x89: {  	s3 =	sld [smem:$0x3FFE];
	_ =	sdelay $0x1  }
0x8a: {  	s1 =	srdreg.scid  }
0x8b: {  	s0 =	sand.u32 $0x1, s1  }
0x8c: {  	s17 =	sshll.u32 s0, $0xA;
	s2 =	sadd.s32 s3, s2  }
0x8d: {  	s2 =	sadd.s32 s2, s17  }
0x8e: {  	[smem:$0x3FC0] =	sst s2  }
0x8f: {  	_ = 	snop  }
0x90: {  	s2 =	sld [smem:$0x3FD0];
	(tm) =	ssettm $0x1  }
0x91: {  	s18 =	sld [smem:$0x3FFB];
	_ =	sdelay $0x3  }
0x92: {  	_ =	strace s18  }
0x93: {  	s3 =	sld [smem:$0x3FFC];
	_ =	sdelay $0x3  }
0x94: {  	_ =	strace s3  }
0x95: {  	s3 =	sld [smem:$0x3FFD];
	_ =	sdelay $0x3  }
0x96: {  	_ =	strace s3  }
0x97: {  	_ =	strace $0x8FFFFFFF  }
0x98: {  	s19 =	sld [smem:$0x3FDB];
	_ =	sdelay $0x1  }
0x99: {  	s4 =	simm.s32 $_scs_section_size  }
0x9a: {  	s5 =	simm.s32 $_size__tile_overlayer_lowered;
	s6 =	simm.s32 $_tile_overlayer_lowered  }
0x9b: {  	s22 =	simm.s32 $0x1BFF;
	s21 =	sshll.u32 s6, $0x1;
	s3 =	sadd.s32 s4, s19  }
0x9c: {  	s7 =	simm.s32 $0x0;
	s20 =	sshll.u32 s5, $0x1;
	s5 =	sadd.s32 s21, s3  }
0x9d: {  	[timem:s7], [sflag:s22] =	dma.local [hbm:s5], s20  }
0x9e: {  	_ =	swait.ge [sflag:s22], s20  }
0x9f: {  	s4 =	ssub.s32 $0x0, s20;
	[sflag:s22] =	ssyncset.done $0x0  }
0xa0: {  	[sflag:s22] =	ssyncadd.s32 s4;
	_ =	sdelay $0x1  }
0xa1: {  	s23 =	simm.s32 $0x1B8B  }
0xa2: {  	_ =	swait.ge [sflag:s23], $0x1  }
0xa3: {  	[sflag:s23] =	ssyncset.done $0x0  }
0xa4: {  	s25 =	simm.s32 $0x1B8E;
	s24 =	sld [smem:$0x3FFE];
	[sflag:s23] =	ssyncadd.s32 $0xFFFFFFFF  }
0xa5: {  	s26 =	simm.s32 $execute0_lowered;
	[smem:$0x3FD2] =	sst s25  }
0xa6: {  	s5 =	sshll.u32 s26, $0x1;
	_ =	strace $0x80000046;
	[dreg:$0x1] =	wrdreg $0xFFFFFFFF  }
0xa7: {  	s28 =	simm.s32 $_size_execute0_lowered;
	s3 =	sadd.s32 s3, s5;
	[dreg:$0x0] =	wrdreg $0x0  }
0xa8: {  	s5 =	sshll.u32 s28, $0x1;
	[dreg:$0x2] =	wrdreg s3  }
0xa9: {  	[dreg:$0x3] =	wrdreg s5  }
0xaa: {  	[dreg:$0x4] =	wrdreg $0xC0  }
0xab: {  	_ =	task [dreg:s7], $0x5FFFF  }
0xac: {  	[dreg:$0x1] =	wrdreg $0xFFFFFFFF  }
0xad: {  	[dreg:$0x0] =	wrdreg $0x60  }
0xae: {  	[dreg:$0x2] =	wrdreg s24  }
0xaf: {  	[dreg:$0x3] =	wrdreg s2  }
0xb0: {  	[dreg:$0x4] =	wrdreg $0x30000  }
0xb1: {  	[dreg:$0x5] =	wrdreg $0x9  }
0xb2: {  	_ =	task.clear_ibuf [dreg:s7], $0x6FFFF;
	_ =	strace $0x90000046  }
0xb3: {  	s29 =	simm.s32 $0x9;
	_ =	strace $0x80000048  }
0xb4: {  	_ =	swait.ge [sflag:s29], $0x1  }
0xb5: {  	[sflag:s29] =	ssyncadd.s32 $0xFFFFFFFF  }
0xb6: {  	_ =	strace $0x90000048  }
0xb7: {  	_ =	sfence  }
0xb8: {  	s30 =	sld [smem:$0x0];
	_ =	sdelay $0x2  }
0xb9: {  	s31 =	sshll.u32 s1, $0xD;
	s1 =	sshrl.u32 s1, $0x2  }
0xba: {  	s3 =	sand.u32 $0x4000, s31;
	s1 =	sadd.s32 s1, s30  }
0xbb: {  	s0 =	sor.u32 s3, s0;
	s1 =	sshll.u32 s1, $0x11  }
0xbc: {  	s0 =	sor.u32 s1, s0  }
0xbd: {  	s0 =	sadd.s32 $0x8F2B, s0  }
0xbe: {  	[sflag:s0] =	ssyncadd.remote.s32 $0x1  }
0xbf: {  	_ =	sfence.sel $0xFFFF  }
0xc0: {  	[dreg:$0x0] =	wrdreg $0xFFFFFFFF;
	(pc) =	sbr.abs _section_cstart, $3  }
0xc1: {  	[dreg:$0x1] =	wrdreg $0xFFFFFFFF  }
0xc2: {  	_ =	task.clear_ibuf [dreg:s7], $0x2FFFF;
	_ =	strace $0x9FFFFFFF  }
0xc3: {  	(tm) =	ssettm $0x7FFFFFFF  }
tec
execute0_lowered:
.L_overlay_start_1:
0x0: {  	(tag) =	ssettag $0x1  }
0x1: {  	s6 =	rddreg [dreg:$0x0]  }
0x2: {  	s2 =	rddreg [dreg:$0x1]  }
0x3: {  	s0 =	srdreg.scid;
	s3 =	rddreg [dreg:$0x2]  }
0x4: {  	s1 =	stileid.u32;
	s4 =	simm.s32 $0x0;
	s12 =	simm.s32 $0x2800  }
0x5: {  	s13 =	simm.s32 $0x80;
	s5 =	sand.u32 $0x1, s0;
	s0 =	rddreg [dreg:$0x3]  }
0x6: {  	s14 =	simm.s32 $0x0;
	s8 =	smul.u32 $0x2800, s1;
	[smem:$0x7FF] =	sst s4  }
0x7: {  	s31 =	sshll.u32 s1, $0x6;
	s7 =	sshll.u32 s5, $0x4;
	s9 =	smul.u32 $0x28000, s5  }
0x8: {  	_ =	strace $0x80000047;
	s10 =	ssub.s32 $0x2, s5;
	s7 =	sor.u32 s1, s7  }
0x9: {  	s5 =	sadd.s32 $0xCA00, s6;
	s7 =	smul.u32 $0x500, s7;
	s9 =	sadd.s32 s8, s9  }
0xa: {  	s30 =	sshrl.u32 s10, $0x1;
	s11 =	sadd.s32 s8, s3;
	s9 =	sshrl.u32 s9, $0x3  }
0xb: {  	s10 =	ssub.s32 s10, s30;
	s7 =	sadd.s32 s7, s6;
	s9 =	sadd.s32 s9, s6  }
0xc: {  	s6 =	sor.u32 $0x1C01, s31;
	s7 =	sadd.s32 $0x2A00, s7;
	s8 =	sadd.s32 $0xCC00, s9  }
0xd: {  	s9 =	smax.u32 s10, $0x1;
	s10 =	sshrl.u32 s11, $0x3;
	s11 =	simm.s32 $0x1  }
.LBB2_1:
0xe: {  	[spmem:s10], [sflag:s6] =	dma.local [hbm:s2], $0x500  }
0xf: {  	_ =	swait.ge [sflag:s11], $0x500  }
0x10: {  	[sflag:s11] =	ssyncset.done $0x0  }
0x11: {  	[sflag:s11] =	ssyncadd.s32 $0xFFFFFB00  }
0x12: {  	[tilespmem:s4], [sflag:$0x1] =	stream.linear.gather [hbm4b:s7+s4], $0x2800, $0x38;
	[tilespmem:$0x5800] =	vst v63  }
0x13: {  	_ =	swait.ge [sflag:s11], $0x2800  }
0x14: {  	[sflag:s11] =	ssyncset.done $0x0  }
0x15: {  	[sflag:s11] =	ssyncadd.s32 $0xFFFFD800  }
0x16: {  	[tilespmem:s12], [sflag:$0x1] =	stream.linear.gather [hbm4b:s5+s4], $0x800, $0x38;
	[tilespmem:$0x5800] =	vst v63  }
0x17: {  	_ =	swait.ge [sflag:s11], $0x800  }
0x18: {  	[sflag:s11] =	ssyncset.done $0x0  }
0x19: {  	[sflag:s11] =	ssyncadd.s32 $0xFFFFF800  }
0x1a: {  	s15 =	simm.s32 $0x0;
	[bflag:$0x0] =	sbarrier.arrive $0xFFFF  }
0x1b: {  	[spmem:s3] =	stream.indirect.scatter.add.f32 [tilespmem:s12], [sflag:$0x1], $0x10, s15, s13, $0xb8;
	[tilespmem:$0x5800] =	vst v63  }
0x1c: {  	_ =	swait.ge [sflag:s11], $0x800  }
0x1d: {  	s15 =	simm.s32 $0x200;
	[sflag:s11] =	ssyncset.done $0x0  }
.LBB2_2:
0x1e: {  	s16 =	sshra.s32 s15, $0x2;
	[sflag:s11] =	ssyncadd.s32 $0xFFFFF800;
	p0 =	sne.s32 s15, $0x9E00  }
0x1f: {  	[spmem:s3] =	stream.indirect.scatter.add.f32 [tilespmem:s12], [sflag:$0x1], $0x10, s16, s13, $0xb8;
	[tilespmem:$0x5800] =	vst v63  }
.Ltmp0:
0x20: {  	_ = 	snop;
	(pc) =	sbr.rel @p0 .LBB2_2-.Ltmp0, $4  }
0x21: {  	_ = 	snop  }
0x22: {  	s15 =	sadd.s32 $0x200, s15  }
0x23: {  	_ =	swait.ge [sflag:s11], $0x800  }
0x24: {  	[sflag:s11] =	ssyncset.done $0x0  }
0x25: {  	s14 =	sadd.s32 $0x1, s14  }
0x26: {  	[sflag:s11] =	ssyncadd.s32 $0xFFFFF800;
	p0 =	sne.s32 s14, s9  }
.Ltmp1:
0x27: {  	[bflag:$0x0] =	sbarrier.arrive $0xFFFF;
	(pc) =	sbr.rel @p0 .LBB2_1-.Ltmp1, $4  }
0x28: {  	[hbm:s8], [sflag:s6] =	dma.local [spmem:s10], $0x500  }
0x29: {  	_ =	swait.ge [sflag:s11], $0x500  }
0x2a: {  	[sflag:s11] =	ssyncset.done $0x0  }
0x2b: {  	[sflag:s11] =	ssyncadd.s32 $0xFFFFFB00  }
0x2c: {  	_ =	sfence.sel $0x180000  }
0x2d: {  	[bflag:$0x0] =	sbarrier.arrive $0xFFFF  }
0x2e: {  	p0 =	sne.s32 s1, $0x0;
	_ =	strace $0x90000047  }
0x2f: {  	s0 =	sadd.s32 @!p0 $0x100000, s0;
	[bflag:$0x2] =	sbarrier.arrive $0xFFFF  }
0x30: {  	[sflag:s0] =	ssyncadd.tile.s32 @!p0 $0x1;
	_ =	shalt  }
.Lfunc_end2:
_tile_overlayer_lowered:
.L_overlay_start_2:
0x31: {  	(tag) =	ssettag $0x2  }
0x32: {  	s0 =	rddreg [dreg:$0x0];
	s2 =	stileid.u32  }
0x33: {  	s1 =	rddreg [dreg:$0x1];
	p0 =	sne.s32 s2, $0x0  }
0x34: {  	s3 =	rddreg [dreg:$0x2];
	[bflag:$0x3] =	sbarrier.arrive $0xFFFF;
	s2 =	simm.s32 @!p0 $0x1C01  }
0x35: {  	[timem:s3], [sflag:s2] =	dma.local @!p0 [hbm:s0], s1  }
0x36: {  	s0 =	simm.s32 @!p0 $0x1  }
0x37: {  	_ =	swait.ge @!p0 [sflag:s0], s1  }
0x38: {  	s1 =	ssub.s32 @!p0 $0x0, s1;
	[sflag:s0] =	ssyncset.done @!p0 $0x0  }
0x39: {  	[sflag:s0] =	ssyncadd.s32 @!p0 s1  }
0x3a: {  	[bflag:$0x3] =	sbarrier.arrive $0xFFFF  }
0x3b: {  	_ =	shalt  }

</sc_bundles>
